<compile_context>
chip_gen: v7x
topology: tpu7x:2x2x1
jax: 0.10.2.dev20260603
libtpu: 0.0.44.dev20260713+nightly
codegen_flags: <defaults>
</compile_context>

<pallas_src>
import functools

import jax
import jax.numpy as jnp
from jax import lax
from jax.experimental import pallas as pl
from jax.experimental.pallas import tpu as pltpu
from jax.experimental.pallas import tpu_sc as plsc

DIM = 64
PDIM = 128
ROWS = 16384
COLS = 200
B = ROWS * COLS
NC = 2
NS = 16
NW = NC * NS
BPW = B // NW
CHUNK = 128
NITER = BPW // CHUNK
NPAIR = NITER // 2

_mesh = plsc.VectorSubcoreMesh(core_axis_name="c", subcore_axis_name="s")


@functools.partial(
    pl.kernel,
    mesh=_mesh,
    out_type=jax.ShapeDtypeStruct((B, PDIM), jnp.float32),
    scratch_types=[
        pltpu.VMEM((2, CHUNK // 128, 128), jnp.int32),
        pltpu.VMEM((2, CHUNK, PDIM), jnp.float32),
        pltpu.VMEM_SHARED((8192, PDIM), jnp.float32),
        pltpu.SemaphoreType.DMA,
        pltpu.SemaphoreType.DMA,
        pltpu.SemaphoreType.DMA,
        pltpu.SemaphoreType.DMA,
        pltpu.SemaphoreType.DMA,
        pltpu.SemaphoreType.DMA,
    ],
    compiler_params=pltpu.CompilerParams(use_tc_tiling_on_sc=True),
)
def _gather_kernel(idx_hbm, table_hbm, out_hbm, idx_v, rows_v, table_spm,
                   sem_i0, sem_i1, sem_g0, sem_g1, sem_s0, sem_s1):
    sid = lax.axis_index("s")
    wid = sid * NC + lax.axis_index("c")
    row_base = wid * BPW
    sem_i = (sem_i0, sem_i1)
    sem_g = (sem_g0, sem_g1)
    sem_s = (sem_s0, sem_s1)

    trows = 8192 // NS
    pltpu.sync_copy(table_hbm.at[pl.ds(sid * trows, trows)],
                    table_spm.at[pl.ds(sid * trows, trows)])
    plsc.subcore_barrier()

    irow_base = wid * (BPW // 128)
    nir = CHUNK // 128

    def fire_idx(g, b):
        gg = jnp.minimum(g, NITER - 1)
        pltpu.async_copy(
            idx_hbm.at[pl.ds(irow_base + gg * nir, nir)], idx_v.at[b], sem_i[b])

    def wait_idx(b):
        pltpu.make_async_copy(
            idx_hbm.at[pl.ds(irow_base, nir)], idx_v.at[b], sem_i[b]).wait()

    def fire_gather(g, b):
        for j in range(CHUNK // 128):
            pltpu.async_copy(table_spm.at[idx_v.at[b, j]],
                             rows_v.at[b, pl.ds(j * 128, 128)], sem_g[b])

    def drain_gather(b):
        pltpu.make_async_copy(
            out_hbm.at[pl.ds(0, CHUNK)], rows_v.at[b], sem_g[b]).wait()

    def fire_store(g, b):
        pltpu.async_copy(
            rows_v.at[b],
            out_hbm.at[pl.ds(row_base + g * CHUNK, CHUNK)], sem_s[b])

    def wait_store(b):
        pltpu.make_async_copy(
            out_hbm.at[pl.ds(0, CHUNK)], rows_v.at[b], sem_s[b]).wait()

    fire_idx(0, 0)
    fire_idx(1, 1)
    wait_idx(0)
    fire_gather(0, 0)
    wait_idx(1)
    fire_gather(1, 1)
    drain_gather(0)
    fire_idx(2, 0)
    fire_store(0, 0)

    def body(k, _):
        g0 = 2 * k
        wait_idx(0)
        wait_store(0)
        fire_gather(g0, 0)
        drain_gather(1)
        fire_idx(g0 + 1, 1)
        fire_store(g0 - 1, 1)
        wait_idx(1)
        wait_store(1)
        fire_gather(g0 + 1, 1)
        drain_gather(0)
        fire_idx(g0 + 2, 0)
        fire_store(g0, 0)
        return ()

    lax.fori_loop(1, NPAIR, body, (), unroll=False)

    wait_idx(0)
    drain_gather(1)
    fire_store(NITER - 1, 1)
    wait_store(0)
    wait_store(1)


def kernel(positions, pe):
    table128 = jnp.pad(pe, ((0, 0), (0, PDIM - DIM)))
    idx2d = positions.reshape(B // 128, 128)
    out = _gather_kernel(idx2d, table128)
    return out[:, :DIM].reshape(positions.shape[0], positions.shape[1], pe.shape[1])

# --- scband reference (transcript-rebuilt; emitter-appended) ---
"""Pipeline reference for scband-sequential-position-encoder-13134009991562 (READ-ONLY COPY).

The authoritative reference and input builder live on the scoring server;
editing this copy changes nothing except your own understanding.
"""

import jax, jax.numpy as jnp
import numpy as np

DIM = 64
FREQ = 8192

def _build_pe(dim, freq):
    position = jnp.arange(0, freq, dtype=jnp.float32)[:, None]
    div_term = jnp.exp(jnp.arange(0, dim, 2, dtype=jnp.float32) * -(jnp.log(jnp.float32(freq)) / dim))
    pe = jnp.zeros((freq, dim), dtype=jnp.float32)
    pe = pe.at[:, 0::2].set(jnp.sin(position * div_term))
    pe = pe.at[:, 1::2].set(jnp.cos(position * div_term))
    return pe

def setup_inputs(seed: int = 0) -> dict:
    key = jax.random.key(seed)
    positions = jax.random.randint(key, (16384, 200), 0, FREQ, dtype=jnp.int64 if jax.config.jax_enable_x64 else jnp.int32)
    pe = _build_pe(DIM, FREQ)
    return {"positions": positions, "pe": pe}

def reference(positions, pe):
    indices = jnp.ravel(positions)
    embeddings = jnp.take(pe, indices, axis=0)
    return embeddings.reshape(*positions.shape, pe.shape[1])

if __name__ == "__main__":
    import jax
    _d = setup_inputs()
    print(jax.jit(kernel)(*tuple(_d.values())))

</pallas_src>

<mosaic_0001>
#map = affine_map<(d0, d1) -> (0, 0)>
module attributes {stable_mosaic.version = 14 : i64} {
  func.func @_gather_kernel(%arg0: i32, %arg1: i32, %arg2: memref<25600x128xi32, #tpu.memory_space<hbm>>, %arg3: memref<8192x128xf32, #tpu.memory_space<hbm>>, %arg4: memref<3276800x128xf32, #tpu.memory_space<hbm>>, %arg5: memref<2x1x128xi32, #tpu.memory_space<vmem>>, %arg6: memref<2x128x128xf32, #tpu.memory_space<vmem>>, %arg7: memref<8192x128xf32, #tpu.memory_space<vmem_shared>>, %arg8: memref<!tpu.dma_semaphore, #tpu.memory_space<semaphore_mem>>, %arg9: memref<!tpu.dma_semaphore, #tpu.memory_space<semaphore_mem>>, %arg10: memref<!tpu.dma_semaphore, #tpu.memory_space<semaphore_mem>>, %arg11: memref<!tpu.dma_semaphore, #tpu.memory_space<semaphore_mem>>, %arg12: memref<!tpu.dma_semaphore, #tpu.memory_space<semaphore_mem>>, %arg13: memref<!tpu.dma_semaphore, #tpu.memory_space<semaphore_mem>>) attributes {dimension_semantics = [#tpu.dimension_semantics<core_parallel>, #tpu.dimension_semantics<subcore_parallel>], iteration_bounds = array<i64: 2, 16>, scalar_prefetch = 0 : i64, scratch_operands = 9 : i64, tpu.core_type = #tpu.core_type<sc_vector_subcore>, window_params = [{transform_indices = #map}, {transform_indices = #map}, {transform_indices = #map}]} {
    %mul3A = arith.constant 2 : i32
    %mul3A_0 = arith.muli %arg1, %mul3A : i32
    %add3A = arith.addi %mul3A_0, %arg0 : i32
    %mul3A_1 = arith.constant 102400 : i32
    %mul3A_2 = arith.muli %add3A, %mul3A_1 : i32
    %mul3A_3 = arith.constant 512 : i32
    %mul3A_4 = arith.muli %arg1, %mul3A_3 : i32
    %mul3A_5 = arith.constant 512 : i32
    %mul3A_6 = arith.muli %arg1, %mul3A_5 : i32
    "tpu.region"() ({
      %run_scoped3A = tpu.sem_alloc : memref<!tpu.dma_semaphore, #tpu.memory_space<semaphore_mem>>
      %dma_start3A_222 = arith.constant 0 : i32
      %dma_start3A_223 = tpu.memref_slice %arg7[%mul3A_6, %dma_start3A_222] : memref<8192x128xf32, #tpu.memory_space<vmem_shared>> -> memref<512x128xf32, #tpu.memory_space<vmem_shared>>
      %dma_start3A_224 = arith.constant 0 : i32
      %dma_start3A_225 = tpu.memref_slice %arg3[%mul3A_4, %dma_start3A_224] : memref<8192x128xf32, #tpu.memory_space<hbm>> -> memref<512x128xf32, #tpu.memory_space<hbm>>
      tpu.enqueue_dma source(%dma_start3A_225 : memref<512x128xf32, #tpu.memory_space<hbm>>) target(%dma_start3A_223 : memref<512x128xf32, #tpu.memory_space<vmem_shared>>) target_semaphore(%run_scoped3A : memref<!tpu.dma_semaphore, #tpu.memory_space<semaphore_mem>>)
      %dma_wait3A_226 = arith.constant 0 : i32
      %dma_wait3A_227 = tpu.memref_slice %arg7[%mul3A_6, %dma_wait3A_226] : memref<8192x128xf32, #tpu.memory_space<vmem_shared>> -> memref<512x128xf32, #tpu.memory_space<vmem_shared>>
      %dma_wait3A_228 = arith.constant 0 : i32
      %dma_wait3A_229 = tpu.memref_slice %arg3[%mul3A_4, %dma_wait3A_228] : memref<8192x128xf32, #tpu.memory_space<hbm>> -> memref<512x128xf32, #tpu.memory_space<hbm>>
      tpu.wait_dma2 semaphore(%run_scoped3A : memref<!tpu.dma_semaphore, #tpu.memory_space<semaphore_mem>>) src(%dma_wait3A_229 : memref<512x128xf32, #tpu.memory_space<hbm>>) dst(%dma_wait3A_227 : memref<512x128xf32, #tpu.memory_space<vmem_shared>>)
      tpu.yield
    }) : () -> ()
    %barrier3A = arith.constant 0 : index
    tpu.barrier barrier_id(%barrier3A)
    %mul3A_7 = arith.constant 800 : i32
    %mul3A_8 = arith.muli %add3A, %mul3A_7 : i32
    %min3A = arith.constant 0 : i32
    %min3A_9 = arith.constant 799 : i32
    %min3A_10 = arith.minsi %min3A, %min3A_9 : i32
    %mul3A_11 = arith.constant 1 : i32
    %mul3A_12 = arith.muli %min3A_10, %mul3A_11 : i32
    %add3A_13 = arith.addi %mul3A_8, %mul3A_12 : i32
    %dma_start3A = arith.constant 0 : i32
    %dma_start3A_14 = arith.constant 0 : i32
    %dma_start3A_15 = arith.constant 0 : i32
    %dma_start3A_16 = tpu.memref_slice %arg5[%dma_start3A, %dma_start3A_14, %dma_start3A_15] : memref<2x1x128xi32, #tpu.memory_space<vmem>> -> memref<1x1x128xi32, #tpu.memory_space<vmem>>
    %dma_start3A_17 = tpu.memref_squeeze %dma_start3A_16 : memref<1x1x128xi32, #tpu.memory_space<vmem>> -> memref<1x128xi32, #tpu.memory_space<vmem>>
    %dma_start3A_18 = arith.constant 0 : i32
    %dma_start3A_19 = tpu.memref_slice %arg2[%add3A_13, %dma_start3A_18] : memref<25600x128xi32, #tpu.memory_space<hbm>> -> memref<1x128xi32, #tpu.memory_space<hbm>>
    %dma_start3A_20 = arith.constant 0 : i32
    %dma_start3A_21 = arith.constant 0 : i32
    %dma_start3A_22 = tpu.memref_slice %arg5[%dma_start3A, %dma_start3A_20, %dma_start3A_21] : memref<2x1x128xi32, #tpu.memory_space<vmem>> -> memref<1x1x128xi32, #tpu.memory_space<vmem>>
    %dma_start3A_23 = tpu.memref_squeeze %dma_start3A_22 : memref<1x1x128xi32, #tpu.memory_space<vmem>> -> memref<1x128xi32, #tpu.memory_space<vmem>>
    %dma_start3A_24 = arith.constant 0 : i32
    %dma_start3A_25 = tpu.memref_slice %arg2[%add3A_13, %dma_start3A_24] : memref<25600x128xi32, #tpu.memory_space<hbm>> -> memref<1x128xi32, #tpu.memory_space<hbm>>
    tpu.enqueue_dma source(%dma_start3A_25 : memref<1x128xi32, #tpu.memory_space<hbm>>) target(%dma_start3A_23 : memref<1x128xi32, #tpu.memory_space<vmem>>) target_semaphore(%arg8 : memref<!tpu.dma_semaphore, #tpu.memory_space<semaphore_mem>>)
    %min3A_26 = arith.constant 1 : i32
    %min3A_27 = arith.constant 799 : i32
    %min3A_28 = arith.minsi %min3A_26, %min3A_27 : i32
    %mul3A_29 = arith.constant 1 : i32
    %mul3A_30 = arith.muli %min3A_28, %mul3A_29 : i32
    %add3A_31 = arith.addi %mul3A_8, %mul3A_30 : i32
    %dma_start3A_32 = arith.constant 1 : i32
    %dma_start3A_33 = arith.constant 0 : i32
    %dma_start3A_34 = arith.constant 0 : i32
    %dma_start3A_35 = tpu.memref_slice %arg5[%dma_start3A_32, %dma_start3A_33, %dma_start3A_34] : memref<2x1x128xi32, #tpu.memory_space<vmem>> -> memref<1x1x128xi32, #tpu.memory_space<vmem>>
    %dma_start3A_36 = tpu.memref_squeeze %dma_start3A_35 : memref<1x1x128xi32, #tpu.memory_space<vmem>> -> memref<1x128xi32, #tpu.memory_space<vmem>>
    %dma_start3A_37 = arith.constant 0 : i32
    %dma_start3A_38 = tpu.memref_slice %arg2[%add3A_31, %dma_start3A_37] : memref<25600x128xi32, #tpu.memory_space<hbm>> -> memref<1x128xi32, #tpu.memory_space<hbm>>
    %dma_start3A_39 = arith.constant 0 : i32
    %dma_start3A_40 = arith.constant 0 : i32
    %dma_start3A_41 = tpu.memref_slice %arg5[%dma_start3A_32, %dma_start3A_39, %dma_start3A_40] : memref<2x1x128xi32, #tpu.memory_space<vmem>> -> memref<1x1x128xi32, #tpu.memory_space<vmem>>
    %dma_start3A_42 = tpu.memref_squeeze %dma_start3A_41 : memref<1x1x128xi32, #tpu.memory_space<vmem>> -> memref<1x128xi32, #tpu.memory_space<vmem>>
    %dma_start3A_43 = arith.constant 0 : i32
    %dma_start3A_44 = tpu.memref_slice %arg2[%add3A_31, %dma_start3A_43] : memref<25600x128xi32, #tpu.memory_space<hbm>> -> memref<1x128xi32, #tpu.memory_space<hbm>>
    tpu.enqueue_dma source(%dma_start3A_44 : memref<1x128xi32, #tpu.memory_space<hbm>>) target(%dma_start3A_42 : memref<1x128xi32, #tpu.memory_space<vmem>>) target_semaphore(%arg9 : memref<!tpu.dma_semaphore, #tpu.memory_space<semaphore_mem>>)
    %dma_wait3A = arith.constant 0 : i32
    %dma_wait3A_45 = arith.constant 0 : i32
    %dma_wait3A_46 = arith.constant 0 : i32
    %dma_wait3A_47 = tpu.memref_slice %arg5[%dma_wait3A, %dma_wait3A_45, %dma_wait3A_46] : memref<2x1x128xi32, #tpu.memory_space<vmem>> -> memref<1x1x128xi32, #tpu.memory_space<vmem>>
    %dma_wait3A_48 = tpu.memref_squeeze %dma_wait3A_47 : memref<1x1x128xi32, #tpu.memory_space<vmem>> -> memref<1x128xi32, #tpu.memory_space<vmem>>
    %dma_wait3A_49 = arith.constant 0 : i32
    %dma_wait3A_50 = tpu.memref_slice %arg2[%mul3A_8, %dma_wait3A_49] : memref<25600x128xi32, #tpu.memory_space<hbm>> -> memref<1x128xi32, #tpu.memory_space<hbm>>
    %dma_wait3A_51 = arith.constant 0 : i32
    %dma_wait3A_52 = arith.constant 0 : i32
    %dma_wait3A_53 = tpu.memref_slice %arg5[%dma_wait3A, %dma_wait3A_51, %dma_wait3A_52] : memref<2x1x128xi32, #tpu.memory_space<vmem>> -> memref<1x1x128xi32, #tpu.memory_space<vmem>>
    %dma_wait3A_54 = tpu.memref_squeeze %dma_wait3A_53 : memref<1x1x128xi32, #tpu.memory_space<vmem>> -> memref<1x128xi32, #tpu.memory_space<vmem>>
    %dma_wait3A_55 = arith.constant 0 : i32
    %dma_wait3A_56 = tpu.memref_slice %arg2[%mul3A_8, %dma_wait3A_55] : memref<25600x128xi32, #tpu.memory_space<hbm>> -> memref<1x128xi32, #tpu.memory_space<hbm>>
    tpu.wait_dma2 semaphore(%arg8 : memref<!tpu.dma_semaphore, #tpu.memory_space<semaphore_mem>>) src(%dma_wait3A_56 : memref<1x128xi32, #tpu.memory_space<hbm>>) dst(%dma_wait3A_54 : memref<1x128xi32, #tpu.memory_space<vmem>>)
    %dma_start3A_57 = arith.constant 0 : i32
    %dma_start3A_58 = arith.constant 0 : i32
    %dma_start3A_59 = arith.constant 0 : i32
    %dma_start3A_60 = arith.constant 0 : i32
    %dma_start3A_61 = arith.constant 0 : i32
    %dma_start3A_62 = tpu.memref_slice %arg6[%dma_start3A_59, %dma_start3A_60, %dma_start3A_61] : memref<2x128x128xf32, #tpu.memory_space<vmem>> -> memref<1x128x128xf32, #tpu.memory_space<vmem>>
    %dma_start3A_63 = tpu.memref_squeeze %dma_start3A_62 : memref<1x128x128xf32, #tpu.memory_space<vmem>> -> memref<128x128xf32, #tpu.memory_space<vmem>>
    %dma_start3A_64 = arith.constant 0 : i32
    %dma_start3A_65 = tpu.memref_slice %arg5[%dma_start3A_57, %dma_start3A_58, %dma_start3A_64] : memref<2x1x128xi32, #tpu.memory_space<vmem>> -> memref<1x1x128xi32, #tpu.memory_space<vmem>>
    %dma_start3A_66 = tpu.memref_squeeze %dma_start3A_65 : memref<1x1x128xi32, #tpu.memory_space<vmem>> -> memref<128xi32, #tpu.memory_space<vmem>>
    %dma_start3A_67 = arith.constant 0 : i32
    %dma_start3A_68 = arith.constant 0 : i32
    %dma_start3A_69 = tpu.memref_slice %arg7[%dma_start3A_67, %dma_start3A_68] : memref<8192x128xf32, #tpu.memory_space<vmem_shared>> -> memref<8192x128xf32, #tpu.memory_space<vmem_shared>>
    tpu.enqueue_indirect_dma source(%dma_start3A_69 : memref<8192x128xf32, #tpu.memory_space<vmem_shared>>) target(%dma_start3A_63 : memref<128x128xf32, #tpu.memory_space<vmem>>) offsets(%dma_start3A_66 : memref<128xi32, #tpu.memory_space<vmem>>) semaphore(%arg10 : memref<!tpu.dma_semaphore, #tpu.memory_space<semaphore_mem>>)
    %dma_wait3A_70 = arith.constant 1 : i32
    %dma_wait3A_71 = arith.constant 0 : i32
    %dma_wait3A_72 = arith.constant 0 : i32
    %dma_wait3A_73 = tpu.memref_slice %arg5[%dma_wait3A_70, %dma_wait3A_71, %dma_wait3A_72] : memref<2x1x128xi32, #tpu.memory_space<vmem>> -> memref<1x1x128xi32, #tpu.memory_space<vmem>>
    %dma_wait3A_74 = tpu.memref_squeeze %dma_wait3A_73 : memref<1x1x128xi32, #tpu.memory_space<vmem>> -> memref<1x128xi32, #tpu.memory_space<vmem>>
    %dma_wait3A_75 = arith.constant 0 : i32
    %dma_wait3A_76 = tpu.memref_slice %arg2[%mul3A_8, %dma_wait3A_75] : memref<25600x128xi32, #tpu.memory_space<hbm>> -> memref<1x128xi32, #tpu.memory_space<hbm>>
    %dma_wait3A_77 = arith.constant 0 : i32
    %dma_wait3A_78 = arith.constant 0 : i32
    %dma_wait3A_79 = tpu.memref_slice %arg5[%dma_wait3A_70, %dma_wait3A_77, %dma_wait3A_78] : memref<2x1x128xi32, #tpu.memory_space<vmem>> -> memref<1x1x128xi32, #tpu.memory_space<vmem>>
    %dma_wait3A_80 = tpu.memref_squeeze %dma_wait3A_79 : memref<1x1x128xi32, #tpu.memory_space<vmem>> -> memref<1x128xi32, #tpu.memory_space<vmem>>
    %dma_wait3A_81 = arith.constant 0 : i32
    %dma_wait3A_82 = tpu.memref_slice %arg2[%mul3A_8, %dma_wait3A_81] : memref<25600x128xi32, #tpu.memory_space<hbm>> -> memref<1x128xi32, #tpu.memory_space<hbm>>
    tpu.wait_dma2 semaphore(%arg9 : memref<!tpu.dma_semaphore, #tpu.memory_space<semaphore_mem>>) src(%dma_wait3A_82 : memref<1x128xi32, #tpu.memory_space<hbm>>) dst(%dma_wait3A_80 : memref<1x128xi32, #tpu.memory_space<vmem>>)
    %dma_start3A_83 = arith.constant 1 : i32
    %dma_start3A_84 = arith.constant 0 : i32
    %dma_start3A_85 = arith.constant 1 : i32
    %dma_start3A_86 = arith.constant 0 : i32
    %dma_start3A_87 = arith.constant 0 : i32
    %dma_start3A_88 = tpu.memref_slice %arg6[%dma_start3A_85, %dma_start3A_86, %dma_start3A_87] : memref<2x128x128xf32, #tpu.memory_space<vmem>> -> memref<1x128x128xf32, #tpu.memory_space<vmem>>
    %dma_start3A_89 = tpu.memref_squeeze %dma_start3A_88 : memref<1x128x128xf32, #tpu.memory_space<vmem>> -> memref<128x128xf32, #tpu.memory_space<vmem>>
    %dma_start3A_90 = arith.constant 0 : i32
    %dma_start3A_91 = tpu.memref_slice %arg5[%dma_start3A_83, %dma_start3A_84, %dma_start3A_90] : memref<2x1x128xi32, #tpu.memory_space<vmem>> -> memref<1x1x128xi32, #tpu.memory_space<vmem>>
    %dma_start3A_92 = tpu.memref_squeeze %dma_start3A_91 : memref<1x1x128xi32, #tpu.memory_space<vmem>> -> memref<128xi32, #tpu.memory_space<vmem>>
    %dma_start3A_93 = arith.constant 0 : i32
    %dma_start3A_94 = arith.constant 0 : i32
    %dma_start3A_95 = tpu.memref_slice %arg7[%dma_start3A_93, %dma_start3A_94] : memref<8192x128xf32, #tpu.memory_space<vmem_shared>> -> memref<8192x128xf32, #tpu.memory_space<vmem_shared>>
    tpu.enqueue_indirect_dma source(%dma_start3A_95 : memref<8192x128xf32, #tpu.memory_space<vmem_shared>>) target(%dma_start3A_89 : memref<128x128xf32, #tpu.memory_space<vmem>>) offsets(%dma_start3A_92 : memref<128xi32, #tpu.memory_space<vmem>>) semaphore(%arg11 : memref<!tpu.dma_semaphore, #tpu.memory_space<semaphore_mem>>)
    %dma_wait3A_96 = arith.constant 0 : i32
    %dma_wait3A_97 = arith.constant 0 : i32
    %dma_wait3A_98 = arith.constant 0 : i32
    %dma_wait3A_99 = tpu.memref_slice %arg6[%dma_wait3A_96, %dma_wait3A_97, %dma_wait3A_98] : memref<2x128x128xf32, #tpu.memory_space<vmem>> -> memref<1x128x128xf32, #tpu.memory_space<vmem>>
    %dma_wait3A_100 = tpu.memref_squeeze %dma_wait3A_99 : memref<1x128x128xf32, #tpu.memory_space<vmem>> -> memref<128x128xf32, #tpu.memory_space<vmem>>
    %dma_wait3A_101 = arith.constant 0 : i32
    %dma_wait3A_102 = arith.constant 0 : i32
    %dma_wait3A_103 = tpu.memref_slice %arg4[%dma_wait3A_101, %dma_wait3A_102] : memref<3276800x128xf32, #tpu.memory_space<hbm>> -> memref<128x128xf32, #tpu.memory_space<hbm>>
    %dma_wait3A_104 = arith.constant 0 : i32
    %dma_wait3A_105 = arith.constant 0 : i32
    %dma_wait3A_106 = tpu.memref_slice %arg6[%dma_wait3A_96, %dma_wait3A_104, %dma_wait3A_105] : memref<2x128x128xf32, #tpu.memory_space<vmem>> -> memref<1x128x128xf32, #tpu.memory_space<vmem>>
    %dma_wait3A_107 = tpu.memref_squeeze %dma_wait3A_106 : memref<1x128x128xf32, #tpu.memory_space<vmem>> -> memref<128x128xf32, #tpu.memory_space<vmem>>
    %dma_wait3A_108 = arith.constant 0 : i32
    %dma_wait3A_109 = arith.constant 0 : i32
    %dma_wait3A_110 = tpu.memref_slice %arg4[%dma_wait3A_108, %dma_wait3A_109] : memref<3276800x128xf32, #tpu.memory_space<hbm>> -> memref<128x128xf32, #tpu.memory_space<hbm>>
    tpu.wait_dma2 semaphore(%arg10 : memref<!tpu.dma_semaphore, #tpu.memory_space<semaphore_mem>>) src(%dma_wait3A_110 : memref<128x128xf32, #tpu.memory_space<hbm>>) dst(%dma_wait3A_107 : memref<128x128xf32, #tpu.memory_space<vmem>>)
    %min3A_111 = arith.constant 2 : i32
    %min3A_112 = arith.constant 799 : i32
    %min3A_113 = arith.minsi %min3A_111, %min3A_112 : i32
    %mul3A_114 = arith.constant 1 : i32
    %mul3A_115 = arith.muli %min3A_113, %mul3A_114 : i32
    %add3A_116 = arith.addi %mul3A_8, %mul3A_115 : i32
    %dma_start3A_117 = arith.constant 0 : i32
    %dma_start3A_118 = arith.constant 0 : i32
    %dma_start3A_119 = arith.constant 0 : i32
    %dma_start3A_120 = tpu.memref_slice %arg5[%dma_start3A_117, %dma_start3A_118, %dma_start3A_119] : memref<2x1x128xi32, #tpu.memory_space<vmem>> -> memref<1x1x128xi32, #tpu.memory_space<vmem>>
    %dma_start3A_121 = tpu.memref_squeeze %dma_start3A_120 : memref<1x1x128xi32, #tpu.memory_space<vmem>> -> memref<1x128xi32, #tpu.memory_space<vmem>>
    %dma_start3A_122 = arith.constant 0 : i32
    %dma_start3A_123 = tpu.memref_slice %arg2[%add3A_116, %dma_start3A_122] : memref<25600x128xi32, #tpu.memory_space<hbm>> -> memref<1x128xi32, #tpu.memory_space<hbm>>
    %dma_start3A_124 = arith.constant 0 : i32
    %dma_start3A_125 = arith.constant 0 : i32
    %dma_start3A_126 = tpu.memref_slice %arg5[%dma_start3A_117, %dma_start3A_124, %dma_start3A_125] : memref<2x1x128xi32, #tpu.memory_space<vmem>> -> memref<1x1x128xi32, #tpu.memory_space<vmem>>
    %dma_start3A_127 = tpu.memref_squeeze %dma_start3A_126 : memref<1x1x128xi32, #tpu.memory_space<vmem>> -> memref<1x128xi32, #tpu.memory_space<vmem>>
    %dma_start3A_128 = arith.constant 0 : i32
    %dma_start3A_129 = tpu.memref_slice %arg2[%add3A_116, %dma_start3A_128] : memref<25600x128xi32, #tpu.memory_space<hbm>> -> memref<1x128xi32, #tpu.memory_space<hbm>>
    tpu.enqueue_dma source(%dma_start3A_129 : memref<1x128xi32, #tpu.memory_space<hbm>>) target(%dma_start3A_127 : memref<1x128xi32, #tpu.memory_space<vmem>>) target_semaphore(%arg8 : memref<!tpu.dma_semaphore, #tpu.memory_space<semaphore_mem>>)
    %add3A_130 = arith.constant 0 : i32
    %add3A_131 = arith.addi %mul3A_2, %add3A_130 : i32
    %dma_start3A_132 = arith.constant 0 : i32
    %dma_start3A_133 = arith.constant 0 : i32
    %dma_start3A_134 = arith.constant 0 : i32
    %dma_start3A_135 = tpu.memref_slice %arg6[%dma_start3A_132, %dma_start3A_133, %dma_start3A_134] : memref<2x128x128xf32, #tpu.memory_space<vmem>> -> memref<1x128x128xf32, #tpu.memory_space<vmem>>
    %dma_start3A_136 = tpu.memref_squeeze %dma_start3A_135 : memref<1x128x128xf32, #tpu.memory_space<vmem>> -> memref<128x128xf32, #tpu.memory_space<vmem>>
    %dma_start3A_137 = arith.constant 0 : i32
    %dma_start3A_138 = tpu.memref_slice %arg4[%add3A_131, %dma_start3A_137] : memref<3276800x128xf32, #tpu.memory_space<hbm>> -> memref<128x128xf32, #tpu.memory_space<hbm>>
    %dma_start3A_139 = arith.constant 0 : i32
    %dma_start3A_140 = tpu.memref_slice %arg4[%add3A_131, %dma_start3A_139] : memref<3276800x128xf32, #tpu.memory_space<hbm>> -> memref<128x128xf32, #tpu.memory_space<hbm>>
    %dma_start3A_141 = arith.constant 0 : i32
    %dma_start3A_142 = arith.constant 0 : i32
    %dma_start3A_143 = tpu.memref_slice %arg6[%dma_start3A_132, %dma_start3A_141, %dma_start3A_142] : memref<2x128x128xf32, #tpu.memory_space<vmem>> -> memref<1x128x128xf32, #tpu.memory_space<vmem>>
    %dma_start3A_144 = tpu.memref_squeeze %dma_start3A_143 : memref<1x128x128xf32, #tpu.memory_space<vmem>> -> memref<128x128xf32, #tpu.memory_space<vmem>>
    tpu.enqueue_dma source(%dma_start3A_144 : memref<128x128xf32, #tpu.memory_space<vmem>>) target(%dma_start3A_140 : memref<128x128xf32, #tpu.memory_space<hbm>>) target_semaphore(%arg12 : memref<!tpu.dma_semaphore, #tpu.memory_space<semaphore_mem>>)
    %scan3A = arith.constant 1 : i32
    %scan3A_145 = arith.constant 399 : i32
    %scan3A_146 = arith.addi %scan3A, %scan3A_145 : i32
    %scan3A_147 = arith.constant 1 : i32
    scf.for %scan3A_222 = %scan3A to %scan3A_146 step %scan3A_147  : i32 {
      %mul3A_223 = arith.constant 2 : i32
      %mul3A_224 = arith.muli %mul3A_223, %scan3A_222 : i32
      %dma_wait3A_225 = arith.constant 0 : i32
      %dma_wait3A_226 = arith.constant 0 : i32
      %dma_wait3A_227 = arith.constant 0 : i32
      %dma_wait3A_228 = tpu.memref_slice %arg5[%dma_wait3A_225, %dma_wait3A_226, %dma_wait3A_227] : memref<2x1x128xi32, #tpu.memory_space<vmem>> -> memref<1x1x128xi32, #tpu.memory_space<vmem>>
      %dma_wait3A_229 = tpu.memref_squeeze %dma_wait3A_228 : memref<1x1x128xi32, #tpu.memory_space<vmem>> -> memref<1x128xi32, #tpu.memory_space<vmem>>
      %dma_wait3A_230 = arith.constant 0 : i32
      %dma_wait3A_231 = tpu.memref_slice %arg2[%mul3A_8, %dma_wait3A_230] : memref<25600x128xi32, #tpu.memory_space<hbm>> -> memref<1x128xi32, #tpu.memory_space<hbm>>
      %dma_wait3A_232 = arith.constant 0 : i32
      %dma_wait3A_233 = arith.constant 0 : i32
      %dma_wait3A_234 = tpu.memref_slice %arg5[%dma_wait3A_225, %dma_wait3A_232, %dma_wait3A_233] : memref<2x1x128xi32, #tpu.memory_space<vmem>> -> memref<1x1x128xi32, #tpu.memory_space<vmem>>
      %dma_wait3A_235 = tpu.memref_squeeze %dma_wait3A_234 : memref<1x1x128xi32, #tpu.memory_space<vmem>> -> memref<1x128xi32, #tpu.memory_space<vmem>>
      %dma_wait3A_236 = arith.constant 0 : i32
      %dma_wait3A_237 = tpu.memref_slice %arg2[%mul3A_8, %dma_wait3A_236] : memref<25600x128xi32, #tpu.memory_space<hbm>> -> memref<1x128xi32, #tpu.memory_space<hbm>>
      tpu.wait_dma2 semaphore(%arg8 : memref<!tpu.dma_semaphore, #tpu.memory_space<semaphore_mem>>) src(%dma_wait3A_237 : memref<1x128xi32, #tpu.memory_space<hbm>>) dst(%dma_wait3A_235 : memref<1x128xi32, #tpu.memory_space<vmem>>)
      %dma_wait3A_238 = arith.constant 0 : i32
      %dma_wait3A_239 = arith.constant 0 : i32
      %dma_wait3A_240 = arith.constant 0 : i32
      %dma_wait3A_241 = tpu.memref_slice %arg6[%dma_wait3A_238, %dma_wait3A_239, %dma_wait3A_240] : memref<2x128x128xf32, #tpu.memory_space<vmem>> -> memref<1x128x128xf32, #tpu.memory_space<vmem>>
      %dma_wait3A_242 = tpu.memref_squeeze %dma_wait3A_241 : memref<1x128x128xf32, #tpu.memory_space<vmem>> -> memref<128x128xf32, #tpu.memory_space<vmem>>
      %dma_wait3A_243 = arith.constant 0 : i32
      %dma_wait3A_244 = arith.constant 0 : i32
      %dma_wait3A_245 = tpu.memref_slice %arg4[%dma_wait3A_243, %dma_wait3A_244] : memref<3276800x128xf32, #tpu.memory_space<hbm>> -> memref<128x128xf32, #tpu.memory_space<hbm>>
      %dma_wait3A_246 = arith.constant 0 : i32
      %dma_wait3A_247 = arith.constant 0 : i32
      %dma_wait3A_248 = tpu.memref_slice %arg6[%dma_wait3A_238, %dma_wait3A_246, %dma_wait3A_247] : memref<2x128x128xf32, #tpu.memory_space<vmem>> -> memref<1x128x128xf32, #tpu.memory_space<vmem>>
      %dma_wait3A_249 = tpu.memref_squeeze %dma_wait3A_248 : memref<1x128x128xf32, #tpu.memory_space<vmem>> -> memref<128x128xf32, #tpu.memory_space<vmem>>
      %dma_wait3A_250 = arith.constant 0 : i32
      %dma_wait3A_251 = arith.constant 0 : i32
      %dma_wait3A_252 = tpu.memref_slice %arg4[%dma_wait3A_250, %dma_wait3A_251] : memref<3276800x128xf32, #tpu.memory_space<hbm>> -> memref<128x128xf32, #tpu.memory_space<hbm>>
      tpu.wait_dma2 semaphore(%arg12 : memref<!tpu.dma_semaphore, #tpu.memory_space<semaphore_mem>>) src(%dma_wait3A_252 : memref<128x128xf32, #tpu.memory_space<hbm>>) dst(%dma_wait3A_249 : memref<128x128xf32, #tpu.memory_space<vmem>>)
      %dma_start3A_253 = arith.constant 0 : i32
      %dma_start3A_254 = arith.constant 0 : i32
      %dma_start3A_255 = arith.constant 0 : i32
      %dma_start3A_256 = arith.constant 0 : i32
      %dma_start3A_257 = arith.constant 0 : i32
      %dma_start3A_258 = tpu.memref_slice %arg6[%dma_start3A_255, %dma_start3A_256, %dma_start3A_257] : memref<2x128x128xf32, #tpu.memory_space<vmem>> -> memref<1x128x128xf32, #tpu.memory_space<vmem>>
      %dma_start3A_259 = tpu.memref_squeeze %dma_start3A_258 : memref<1x128x128xf32, #tpu.memory_space<vmem>> -> memref<128x128xf32, #tpu.memory_space<vmem>>
      %dma_start3A_260 = arith.constant 0 : i32
      %dma_start3A_261 = tpu.memref_slice %arg5[%dma_start3A_253, %dma_start3A_254, %dma_start3A_260] : memref<2x1x128xi32, #tpu.memory_space<vmem>> -> memref<1x1x128xi32, #tpu.memory_space<vmem>>
      %dma_start3A_262 = tpu.memref_squeeze %dma_start3A_261 : memref<1x1x128xi32, #tpu.memory_space<vmem>> -> memref<128xi32, #tpu.memory_space<vmem>>
      %dma_start3A_263 = arith.constant 0 : i32
      %dma_start3A_264 = arith.constant 0 : i32
      %dma_start3A_265 = tpu.memref_slice %arg7[%dma_start3A_263, %dma_start3A_264] : memref<8192x128xf32, #tpu.memory_space<vmem_shared>> -> memref<8192x128xf32, #tpu.memory_space<vmem_shared>>
      tpu.enqueue_indirect_dma source(%dma_start3A_265 : memref<8192x128xf32, #tpu.memory_space<vmem_shared>>) target(%dma_start3A_259 : memref<128x128xf32, #tpu.memory_space<vmem>>) offsets(%dma_start3A_262 : memref<128xi32, #tpu.memory_space<vmem>>) semaphore(%arg10 : memref<!tpu.dma_semaphore, #tpu.memory_space<semaphore_mem>>)
      %dma_wait3A_266 = arith.constant 1 : i32
      %dma_wait3A_267 = arith.constant 0 : i32
      %dma_wait3A_268 = arith.constant 0 : i32
      %dma_wait3A_269 = tpu.memref_slice %arg6[%dma_wait3A_266, %dma_wait3A_267, %dma_wait3A_268] : memref<2x128x128xf32, #tpu.memory_space<vmem>> -> memref<1x128x128xf32, #tpu.memory_space<vmem>>
      %dma_wait3A_270 = tpu.memref_squeeze %dma_wait3A_269 : memref<1x128x128xf32, #tpu.memory_space<vmem>> -> memref<128x128xf32, #tpu.memory_space<vmem>>
      %dma_wait3A_271 = arith.constant 0 : i32
      %dma_wait3A_272 = arith.constant 0 : i32
      %dma_wait3A_273 = tpu.memref_slice %arg4[%dma_wait3A_271, %dma_wait3A_272] : memref<3276800x128xf32, #tpu.memory_space<hbm>> -> memref<128x128xf32, #tpu.memory_space<hbm>>
      %dma_wait3A_274 = arith.constant 0 : i32
      %dma_wait3A_275 = arith.constant 0 : i32
      %dma_wait3A_276 = tpu.memref_slice %arg6[%dma_wait3A_266, %dma_wait3A_274, %dma_wait3A_275] : memref<2x128x128xf32, #tpu.memory_space<vmem>> -> memref<1x128x128xf32, #tpu.memory_space<vmem>>
      %dma_wait3A_277 = tpu.memref_squeeze %dma_wait3A_276 : memref<1x128x128xf32, #tpu.memory_space<vmem>> -> memref<128x128xf32, #tpu.memory_space<vmem>>
      %dma_wait3A_278 = arith.constant 0 : i32
      %dma_wait3A_279 = arith.constant 0 : i32
      %dma_wait3A_280 = tpu.memref_slice %arg4[%dma_wait3A_278, %dma_wait3A_279] : memref<3276800x128xf32, #tpu.memory_space<hbm>> -> memref<128x128xf32, #tpu.memory_space<hbm>>
      tpu.wait_dma2 semaphore(%arg11 : memref<!tpu.dma_semaphore, #tpu.memory_space<semaphore_mem>>) src(%dma_wait3A_280 : memref<128x128xf32, #tpu.memory_space<hbm>>) dst(%dma_wait3A_277 : memref<128x128xf32, #tpu.memory_space<vmem>>)
      %add3A_281 = arith.constant 1 : i32
      %add3A_282 = arith.addi %mul3A_224, %add3A_281 : i32
      %min3A_283 = arith.constant 799 : i32
      %min3A_284 = arith.minsi %add3A_282, %min3A_283 : i32
      %mul3A_285 = arith.constant 1 : i32
      %mul3A_286 = arith.muli %min3A_284, %mul3A_285 : i32
      %add3A_287 = arith.addi %mul3A_8, %mul3A_286 : i32
      %dma_start3A_288 = arith.constant 1 : i32
      %dma_start3A_289 = arith.constant 0 : i32
      %dma_start3A_290 = arith.constant 0 : i32
      %dma_start3A_291 = tpu.memref_slice %arg5[%dma_start3A_288, %dma_start3A_289, %dma_start3A_290] : memref<2x1x128xi32, #tpu.memory_space<vmem>> -> memref<1x1x128xi32, #tpu.memory_space<vmem>>
      %dma_start3A_292 = tpu.memref_squeeze %dma_start3A_291 : memref<1x1x128xi32, #tpu.memory_space<vmem>> -> memref<1x128xi32, #tpu.memory_space<vmem>>
      %dma_start3A_293 = arith.constant 0 : i32
      %dma_start3A_294 = tpu.memref_slice %arg2[%add3A_287, %dma_start3A_293] : memref<25600x128xi32, #tpu.memory_space<hbm>> -> memref<1x128xi32, #tpu.memory_space<hbm>>
      %dma_start3A_295 = arith.constant 0 : i32
      %dma_start3A_296 = arith.constant 0 : i32
      %dma_start3A_297 = tpu.memref_slice %arg5[%dma_start3A_288, %dma_start3A_295, %dma_start3A_296] : memref<2x1x128xi32, #tpu.memory_space<vmem>> -> memref<1x1x128xi32, #tpu.memory_space<vmem>>
      %dma_start3A_298 = tpu.memref_squeeze %dma_start3A_297 : memref<1x1x128xi32, #tpu.memory_space<vmem>> -> memref<1x128xi32, #tpu.memory_space<vmem>>
      %dma_start3A_299 = arith.constant 0 : i32
      %dma_start3A_300 = tpu.memref_slice %arg2[%add3A_287, %dma_start3A_299] : memref<25600x128xi32, #tpu.memory_space<hbm>> -> memref<1x128xi32, #tpu.memory_space<hbm>>
      tpu.enqueue_dma source(%dma_start3A_300 : memref<1x128xi32, #tpu.memory_space<hbm>>) target(%dma_start3A_298 : memref<1x128xi32, #tpu.memory_space<vmem>>) target_semaphore(%arg9 : memref<!tpu.dma_semaphore, #tpu.memory_space<semaphore_mem>>)
      %sub3A = arith.constant 1 : i32
      %sub3A_301 = arith.subi %mul3A_224, %sub3A : i32
      %mul3A_302 = arith.constant 128 : i32
      %mul3A_303 = arith.muli %sub3A_301, %mul3A_302 : i32
      %add3A_304 = arith.addi %mul3A_2, %mul3A_303 : i32
      %dma_start3A_305 = arith.constant 1 : i32
      %dma_start3A_306 = arith.constant 0 : i32
      %dma_start3A_307 = arith.constant 0 : i32
      %dma_start3A_308 = tpu.memref_slice %arg6[%dma_start3A_305, %dma_start3A_306, %dma_start3A_307] : memref<2x128x128xf32, #tpu.memory_space<vmem>> -> memref<1x128x128xf32, #tpu.memory_space<vmem>>
      %dma_start3A_309 = tpu.memref_squeeze %dma_start3A_308 : memref<1x128x128xf32, #tpu.memory_space<vmem>> -> memref<128x128xf32, #tpu.memory_space<vmem>>
      %dma_start3A_310 = arith.constant 0 : i32
      %dma_start3A_311 = tpu.memref_slice %arg4[%add3A_304, %dma_start3A_310] : memref<3276800x128xf32, #tpu.memory_space<hbm>> -> memref<128x128xf32, #tpu.memory_space<hbm>>
      %dma_start3A_312 = arith.constant 0 : i32
      %dma_start3A_313 = tpu.memref_slice %arg4[%add3A_304, %dma_start3A_312] : memref<3276800x128xf32, #tpu.memory_space<hbm>> -> memref<128x128xf32, #tpu.memory_space<hbm>>
      %dma_start3A_314 = arith.constant 0 : i32
      %dma_start3A_315 = arith.constant 0 : i32
      %dma_start3A_316 = tpu.memref_slice %arg6[%dma_start3A_305, %dma_start3A_314, %dma_start3A_315] : memref<2x128x128xf32, #tpu.memory_space<vmem>> -> memref<1x128x128xf32, #tpu.memory_space<vmem>>
      %dma_start3A_317 = tpu.memref_squeeze %dma_start3A_316 : memref<1x128x128xf32, #tpu.memory_space<vmem>> -> memref<128x128xf32, #tpu.memory_space<vmem>>
      tpu.enqueue_dma source(%dma_start3A_317 : memref<128x128xf32, #tpu.memory_space<vmem>>) target(%dma_start3A_313 : memref<128x128xf32, #tpu.memory_space<hbm>>) target_semaphore(%arg13 : memref<!tpu.dma_semaphore, #tpu.memory_space<semaphore_mem>>)
      %dma_wait3A_318 = arith.constant 1 : i32
      %dma_wait3A_319 = arith.constant 0 : i32
      %dma_wait3A_320 = arith.constant 0 : i32
      %dma_wait3A_321 = tpu.memref_slice %arg5[%dma_wait3A_318, %dma_wait3A_319, %dma_wait3A_320] : memref<2x1x128xi32, #tpu.memory_space<vmem>> -> memref<1x1x128xi32, #tpu.memory_space<vmem>>
      %dma_wait3A_322 = tpu.memref_squeeze %dma_wait3A_321 : memref<1x1x128xi32, #tpu.memory_space<vmem>> -> memref<1x128xi32, #tpu.memory_space<vmem>>
      %dma_wait3A_323 = arith.constant 0 : i32
      %dma_wait3A_324 = tpu.memref_slice %arg2[%mul3A_8, %dma_wait3A_323] : memref<25600x128xi32, #tpu.memory_space<hbm>> -> memref<1x128xi32, #tpu.memory_space<hbm>>
      %dma_wait3A_325 = arith.constant 0 : i32
      %dma_wait3A_326 = arith.constant 0 : i32
      %dma_wait3A_327 = tpu.memref_slice %arg5[%dma_wait3A_318, %dma_wait3A_325, %dma_wait3A_326] : memref<2x1x128xi32, #tpu.memory_space<vmem>> -> memref<1x1x128xi32, #tpu.memory_space<vmem>>
      %dma_wait3A_328 = tpu.memref_squeeze %dma_wait3A_327 : memref<1x1x128xi32, #tpu.memory_space<vmem>> -> memref<1x128xi32, #tpu.memory_space<vmem>>
      %dma_wait3A_329 = arith.constant 0 : i32
      %dma_wait3A_330 = tpu.memref_slice %arg2[%mul3A_8, %dma_wait3A_329] : memref<25600x128xi32, #tpu.memory_space<hbm>> -> memref<1x128xi32, #tpu.memory_space<hbm>>
      tpu.wait_dma2 semaphore(%arg9 : memref<!tpu.dma_semaphore, #tpu.memory_space<semaphore_mem>>) src(%dma_wait3A_330 : memref<1x128xi32, #tpu.memory_space<hbm>>) dst(%dma_wait3A_328 : memref<1x128xi32, #tpu.memory_space<vmem>>)
      %dma_wait3A_331 = arith.constant 1 : i32
      %dma_wait3A_332 = arith.constant 0 : i32
      %dma_wait3A_333 = arith.constant 0 : i32
      %dma_wait3A_334 = tpu.memref_slice %arg6[%dma_wait3A_331, %dma_wait3A_332, %dma_wait3A_333] : memref<2x128x128xf32, #tpu.memory_space<vmem>> -> memref<1x128x128xf32, #tpu.memory_space<vmem>>
      %dma_wait3A_335 = tpu.memref_squeeze %dma_wait3A_334 : memref<1x128x128xf32, #tpu.memory_space<vmem>> -> memref<128x128xf32, #tpu.memory_space<vmem>>
      %dma_wait3A_336 = arith.constant 0 : i32
      %dma_wait3A_337 = arith.constant 0 : i32
      %dma_wait3A_338 = tpu.memref_slice %arg4[%dma_wait3A_336, %dma_wait3A_337] : memref<3276800x128xf32, #tpu.memory_space<hbm>> -> memref<128x128xf32, #tpu.memory_space<hbm>>
      %dma_wait3A_339 = arith.constant 0 : i32
      %dma_wait3A_340 = arith.constant 0 : i32
      %dma_wait3A_341 = tpu.memref_slice %arg6[%dma_wait3A_331, %dma_wait3A_339, %dma_wait3A_340] : memref<2x128x128xf32, #tpu.memory_space<vmem>> -> memref<1x128x128xf32, #tpu.memory_space<vmem>>
      %dma_wait3A_342 = tpu.memref_squeeze %dma_wait3A_341 : memref<1x128x128xf32, #tpu.memory_space<vmem>> -> memref<128x128xf32, #tpu.memory_space<vmem>>
      %dma_wait3A_343 = arith.constant 0 : i32
      %dma_wait3A_344 = arith.constant 0 : i32
      %dma_wait3A_345 = tpu.memref_slice %arg4[%dma_wait3A_343, %dma_wait3A_344] : memref<3276800x128xf32, #tpu.memory_space<hbm>> -> memref<128x128xf32, #tpu.memory_space<hbm>>
      tpu.wait_dma2 semaphore(%arg13 : memref<!tpu.dma_semaphore, #tpu.memory_space<semaphore_mem>>) src(%dma_wait3A_345 : memref<128x128xf32, #tpu.memory_space<hbm>>) dst(%dma_wait3A_342 : memref<128x128xf32, #tpu.memory_space<vmem>>)
      %add3A_346 = arith.constant 1 : i32
      %add3A_347 = arith.addi %mul3A_224, %add3A_346 : i32
      %dma_start3A_348 = arith.constant 1 : i32
      %dma_start3A_349 = arith.constant 0 : i32
      %dma_start3A_350 = arith.constant 1 : i32
      %dma_start3A_351 = arith.constant 0 : i32
      %dma_start3A_352 = arith.constant 0 : i32
      %dma_start3A_353 = tpu.memref_slice %arg6[%dma_start3A_350, %dma_start3A_351, %dma_start3A_352] : memref<2x128x128xf32, #tpu.memory_space<vmem>> -> memref<1x128x128xf32, #tpu.memory_space<vmem>>
      %dma_start3A_354 = tpu.memref_squeeze %dma_start3A_353 : memref<1x128x128xf32, #tpu.memory_space<vmem>> -> memref<128x128xf32, #tpu.memory_space<vmem>>
      %dma_start3A_355 = arith.constant 0 : i32
      %dma_start3A_356 = tpu.memref_slice %arg5[%dma_start3A_348, %dma_start3A_349, %dma_start3A_355] : memref<2x1x128xi32, #tpu.memory_space<vmem>> -> memref<1x1x128xi32, #tpu.memory_space<vmem>>
      %dma_start3A_357 = tpu.memref_squeeze %dma_start3A_356 : memref<1x1x128xi32, #tpu.memory_space<vmem>> -> memref<128xi32, #tpu.memory_space<vmem>>
      %dma_start3A_358 = arith.constant 0 : i32
      %dma_start3A_359 = arith.constant 0 : i32
      %dma_start3A_360 = tpu.memref_slice %arg7[%dma_start3A_358, %dma_start3A_359] : memref<8192x128xf32, #tpu.memory_space<vmem_shared>> -> memref<8192x128xf32, #tpu.memory_space<vmem_shared>>
      tpu.enqueue_indirect_dma source(%dma_start3A_360 : memref<8192x128xf32, #tpu.memory_space<vmem_shared>>) target(%dma_start3A_354 : memref<128x128xf32, #tpu.memory_space<vmem>>) offsets(%dma_start3A_357 : memref<128xi32, #tpu.memory_space<vmem>>) semaphore(%arg11 : memref<!tpu.dma_semaphore, #tpu.memory_space<semaphore_mem>>)
      %dma_wait3A_361 = arith.constant 0 : i32
      %dma_wait3A_362 = arith.constant 0 : i32
      %dma_wait3A_363 = arith.constant 0 : i32
      %dma_wait3A_364 = tpu.memref_slice %arg6[%dma_wait3A_361, %dma_wait3A_362, %dma_wait3A_363] : memref<2x128x128xf32, #tpu.memory_space<vmem>> -> memref<1x128x128xf32, #tpu.memory_space<vmem>>
      %dma_wait3A_365 = tpu.memref_squeeze %dma_wait3A_364 : memref<1x128x128xf32, #tpu.memory_space<vmem>> -> memref<128x128xf32, #tpu.memory_space<vmem>>
      %dma_wait3A_366 = arith.constant 0 : i32
      %dma_wait3A_367 = arith.constant 0 : i32
      %dma_wait3A_368 = tpu.memref_slice %arg4[%dma_wait3A_366, %dma_wait3A_367] : memref<3276800x128xf32, #tpu.memory_space<hbm>> -> memref<128x128xf32, #tpu.memory_space<hbm>>
      %dma_wait3A_369 = arith.constant 0 : i32
      %dma_wait3A_370 = arith.constant 0 : i32
      %dma_wait3A_371 = tpu.memref_slice %arg6[%dma_wait3A_361, %dma_wait3A_369, %dma_wait3A_370] : memref<2x128x128xf32, #tpu.memory_space<vmem>> -> memref<1x128x128xf32, #tpu.memory_space<vmem>>
      %dma_wait3A_372 = tpu.memref_squeeze %dma_wait3A_371 : memref<1x128x128xf32, #tpu.memory_space<vmem>> -> memref<128x128xf32, #tpu.memory_space<vmem>>
      %dma_wait3A_373 = arith.constant 0 : i32
      %dma_wait3A_374 = arith.constant 0 : i32
      %dma_wait3A_375 = tpu.memref_slice %arg4[%dma_wait3A_373, %dma_wait3A_374] : memref<3276800x128xf32, #tpu.memory_space<hbm>> -> memref<128x128xf32, #tpu.memory_space<hbm>>
      tpu.wait_dma2 semaphore(%arg10 : memref<!tpu.dma_semaphore, #tpu.memory_space<semaphore_mem>>) src(%dma_wait3A_375 : memref<128x128xf32, #tpu.memory_space<hbm>>) dst(%dma_wait3A_372 : memref<128x128xf32, #tpu.memory_space<vmem>>)
      %add3A_376 = arith.constant 2 : i32
      %add3A_377 = arith.addi %mul3A_224, %add3A_376 : i32
      %min3A_378 = arith.constant 799 : i32
      %min3A_379 = arith.minsi %add3A_377, %min3A_378 : i32
      %mul3A_380 = arith.constant 1 : i32
      %mul3A_381 = arith.muli %min3A_379, %mul3A_380 : i32
      %add3A_382 = arith.addi %mul3A_8, %mul3A_381 : i32
      %dma_start3A_383 = arith.constant 0 : i32
      %dma_start3A_384 = arith.constant 0 : i32
      %dma_start3A_385 = arith.constant 0 : i32
      %dma_start3A_386 = tpu.memref_slice %arg5[%dma_start3A_383, %dma_start3A_384, %dma_start3A_385] : memref<2x1x128xi32, #tpu.memory_space<vmem>> -> memref<1x1x128xi32, #tpu.memory_space<vmem>>
      %dma_start3A_387 = tpu.memref_squeeze %dma_start3A_386 : memref<1x1x128xi32, #tpu.memory_space<vmem>> -> memref<1x128xi32, #tpu.memory_space<vmem>>
      %dma_start3A_388 = arith.constant 0 : i32
      %dma_start3A_389 = tpu.memref_slice %arg2[%add3A_382, %dma_start3A_388] : memref<25600x128xi32, #tpu.memory_space<hbm>> -> memref<1x128xi32, #tpu.memory_space<hbm>>
      %dma_start3A_390 = arith.constant 0 : i32
      %dma_start3A_391 = arith.constant 0 : i32
      %dma_start3A_392 = tpu.memref_slice %arg5[%dma_start3A_383, %dma_start3A_390, %dma_start3A_391] : memref<2x1x128xi32, #tpu.memory_space<vmem>> -> memref<1x1x128xi32, #tpu.memory_space<vmem>>
      %dma_start3A_393 = tpu.memref_squeeze %dma_start3A_392 : memref<1x1x128xi32, #tpu.memory_space<vmem>> -> memref<1x128xi32, #tpu.memory_space<vmem>>
      %dma_start3A_394 = arith.constant 0 : i32
      %dma_start3A_395 = tpu.memref_slice %arg2[%add3A_382, %dma_start3A_394] : memref<25600x128xi32, #tpu.memory_space<hbm>> -> memref<1x128xi32, #tpu.memory_space<hbm>>
      tpu.enqueue_dma source(%dma_start3A_395 : memref<1x128xi32, #tpu.memory_space<hbm>>) target(%dma_start3A_393 : memref<1x128xi32, #tpu.memory_space<vmem>>) target_semaphore(%arg8 : memref<!tpu.dma_semaphore, #tpu.memory_space<semaphore_mem>>)
      %mul3A_396 = arith.constant 128 : i32
      %mul3A_397 = arith.muli %mul3A_224, %mul3A_396 : i32
      %add3A_398 = arith.addi %mul3A_2, %mul3A_397 : i32
      %dma_start3A_399 = arith.constant 0 : i32
      %dma_start3A_400 = arith.constant 0 : i32
      %dma_start3A_401 = arith.constant 0 : i32
      %dma_start3A_402 = tpu.memref_slice %arg6[%dma_start3A_399, %dma_start3A_400, %dma_start3A_401] : memref<2x128x128xf32, #tpu.memory_space<vmem>> -> memref<1x128x128xf32, #tpu.memory_space<vmem>>
      %dma_start3A_403 = tpu.memref_squeeze %dma_start3A_402 : memref<1x128x128xf32, #tpu.memory_space<vmem>> -> memref<128x128xf32, #tpu.memory_space<vmem>>
      %dma_start3A_404 = arith.constant 0 : i32
      %dma_start3A_405 = tpu.memref_slice %arg4[%add3A_398, %dma_start3A_404] : memref<3276800x128xf32, #tpu.memory_space<hbm>> -> memref<128x128xf32, #tpu.memory_space<hbm>>
      %dma_start3A_406 = arith.constant 0 : i32
      %dma_start3A_407 = tpu.memref_slice %arg4[%add3A_398, %dma_start3A_406] : memref<3276800x128xf32, #tpu.memory_space<hbm>> -> memref<128x128xf32, #tpu.memory_space<hbm>>
      %dma_start3A_408 = arith.constant 0 : i32
      %dma_start3A_409 = arith.constant 0 : i32
      %dma_start3A_410 = tpu.memref_slice %arg6[%dma_start3A_399, %dma_start3A_408, %dma_start3A_409] : memref<2x128x128xf32, #tpu.memory_space<vmem>> -> memref<1x128x128xf32, #tpu.memory_space<vmem>>
      %dma_start3A_411 = tpu.memref_squeeze %dma_start3A_410 : memref<1x128x128xf32, #tpu.memory_space<vmem>> -> memref<128x128xf32, #tpu.memory_space<vmem>>
      tpu.enqueue_dma source(%dma_start3A_411 : memref<128x128xf32, #tpu.memory_space<vmem>>) target(%dma_start3A_407 : memref<128x128xf32, #tpu.memory_space<hbm>>) target_semaphore(%arg12 : memref<!tpu.dma_semaphore, #tpu.memory_space<semaphore_mem>>)
    }
    %scan3A_148 = arith.constant 399 : i32
    %dma_wait3A_149 = arith.constant 0 : i32
    %dma_wait3A_150 = arith.constant 0 : i32
    %dma_wait3A_151 = arith.constant 0 : i32
    %dma_wait3A_152 = tpu.memref_slice %arg5[%dma_wait3A_149, %dma_wait3A_150, %dma_wait3A_151] : memref<2x1x128xi32, #tpu.memory_space<vmem>> -> memref<1x1x128xi32, #tpu.memory_space<vmem>>
    %dma_wait3A_153 = tpu.memref_squeeze %dma_wait3A_152 : memref<1x1x128xi32, #tpu.memory_space<vmem>> -> memref<1x128xi32, #tpu.memory_space<vmem>>
    %dma_wait3A_154 = arith.constant 0 : i32
    %dma_wait3A_155 = tpu.memref_slice %arg2[%mul3A_8, %dma_wait3A_154] : memref<25600x128xi32, #tpu.memory_space<hbm>> -> memref<1x128xi32, #tpu.memory_space<hbm>>
    %dma_wait3A_156 = arith.constant 0 : i32
    %dma_wait3A_157 = arith.constant 0 : i32
    %dma_wait3A_158 = tpu.memref_slice %arg5[%dma_wait3A_149, %dma_wait3A_156, %dma_wait3A_157] : memref<2x1x128xi32, #tpu.memory_space<vmem>> -> memref<1x1x128xi32, #tpu.memory_space<vmem>>
    %dma_wait3A_159 = tpu.memref_squeeze %dma_wait3A_158 : memref<1x1x128xi32, #tpu.memory_space<vmem>> -> memref<1x128xi32, #tpu.memory_space<vmem>>
    %dma_wait3A_160 = arith.constant 0 : i32
    %dma_wait3A_161 = tpu.memref_slice %arg2[%mul3A_8, %dma_wait3A_160] : memref<25600x128xi32, #tpu.memory_space<hbm>> -> memref<1x128xi32, #tpu.memory_space<hbm>>
    tpu.wait_dma2 semaphore(%arg8 : memref<!tpu.dma_semaphore, #tpu.memory_space<semaphore_mem>>) src(%dma_wait3A_161 : memref<1x128xi32, #tpu.memory_space<hbm>>) dst(%dma_wait3A_159 : memref<1x128xi32, #tpu.memory_space<vmem>>)
    %dma_wait3A_162 = arith.constant 1 : i32
    %dma_wait3A_163 = arith.constant 0 : i32
    %dma_wait3A_164 = arith.constant 0 : i32
    %dma_wait3A_165 = tpu.memref_slice %arg6[%dma_wait3A_162, %dma_wait3A_163, %dma_wait3A_164] : memref<2x128x128xf32, #tpu.memory_space<vmem>> -> memref<1x128x128xf32, #tpu.memory_space<vmem>>
    %dma_wait3A_166 = tpu.memref_squeeze %dma_wait3A_165 : memref<1x128x128xf32, #tpu.memory_space<vmem>> -> memref<128x128xf32, #tpu.memory_space<vmem>>
    %dma_wait3A_167 = arith.constant 0 : i32
    %dma_wait3A_168 = arith.constant 0 : i32
    %dma_wait3A_169 = tpu.memref_slice %arg4[%dma_wait3A_167, %dma_wait3A_168] : memref<3276800x128xf32, #tpu.memory_space<hbm>> -> memref<128x128xf32, #tpu.memory_space<hbm>>
    %dma_wait3A_170 = arith.constant 0 : i32
    %dma_wait3A_171 = arith.constant 0 : i32
    %dma_wait3A_172 = tpu.memref_slice %arg6[%dma_wait3A_162, %dma_wait3A_170, %dma_wait3A_171] : memref<2x128x128xf32, #tpu.memory_space<vmem>> -> memref<1x128x128xf32, #tpu.memory_space<vmem>>
    %dma_wait3A_173 = tpu.memref_squeeze %dma_wait3A_172 : memref<1x128x128xf32, #tpu.memory_space<vmem>> -> memref<128x128xf32, #tpu.memory_space<vmem>>
    %dma_wait3A_174 = arith.constant 0 : i32
    %dma_wait3A_175 = arith.constant 0 : i32
    %dma_wait3A_176 = tpu.memref_slice %arg4[%dma_wait3A_174, %dma_wait3A_175] : memref<3276800x128xf32, #tpu.memory_space<hbm>> -> memref<128x128xf32, #tpu.memory_space<hbm>>
    tpu.wait_dma2 semaphore(%arg11 : memref<!tpu.dma_semaphore, #tpu.memory_space<semaphore_mem>>) src(%dma_wait3A_176 : memref<128x128xf32, #tpu.memory_space<hbm>>) dst(%dma_wait3A_173 : memref<128x128xf32, #tpu.memory_space<vmem>>)
    %add3A_177 = arith.constant 102272 : i32
    %add3A_178 = arith.addi %mul3A_2, %add3A_177 : i32
    %dma_start3A_179 = arith.constant 1 : i32
    %dma_start3A_180 = arith.constant 0 : i32
    %dma_start3A_181 = arith.constant 0 : i32
    %dma_start3A_182 = tpu.memref_slice %arg6[%dma_start3A_179, %dma_start3A_180, %dma_start3A_181] : memref<2x128x128xf32, #tpu.memory_space<vmem>> -> memref<1x128x128xf32, #tpu.memory_space<vmem>>
    %dma_start3A_183 = tpu.memref_squeeze %dma_start3A_182 : memref<1x128x128xf32, #tpu.memory_space<vmem>> -> memref<128x128xf32, #tpu.memory_space<vmem>>
    %dma_start3A_184 = arith.constant 0 : i32
    %dma_start3A_185 = tpu.memref_slice %arg4[%add3A_178, %dma_start3A_184] : memref<3276800x128xf32, #tpu.memory_space<hbm>> -> memref<128x128xf32, #tpu.memory_space<hbm>>
    %dma_start3A_186 = arith.constant 0 : i32
    %dma_start3A_187 = tpu.memref_slice %arg4[%add3A_178, %dma_start3A_186] : memref<3276800x128xf32, #tpu.memory_space<hbm>> -> memref<128x128xf32, #tpu.memory_space<hbm>>
    %dma_start3A_188 = arith.constant 0 : i32
    %dma_start3A_189 = arith.constant 0 : i32
    %dma_start3A_190 = tpu.memref_slice %arg6[%dma_start3A_179, %dma_start3A_188, %dma_start3A_189] : memref<2x128x128xf32, #tpu.memory_space<vmem>> -> memref<1x128x128xf32, #tpu.memory_space<vmem>>
    %dma_start3A_191 = tpu.memref_squeeze %dma_start3A_190 : memref<1x128x128xf32, #tpu.memory_space<vmem>> -> memref<128x128xf32, #tpu.memory_space<vmem>>
    tpu.enqueue_dma source(%dma_start3A_191 : memref<128x128xf32, #tpu.memory_space<vmem>>) target(%dma_start3A_187 : memref<128x128xf32, #tpu.memory_space<hbm>>) target_semaphore(%arg13 : memref<!tpu.dma_semaphore, #tpu.memory_space<semaphore_mem>>)
    %dma_wait3A_192 = arith.constant 0 : i32
    %dma_wait3A_193 = arith.constant 0 : i32
    %dma_wait3A_194 = arith.constant 0 : i32
    %dma_wait3A_195 = tpu.memref_slice %arg6[%dma_wait3A_192, %dma_wait3A_193, %dma_wait3A_194] : memref<2x128x128xf32, #tpu.memory_space<vmem>> -> memref<1x128x128xf32, #tpu.memory_space<vmem>>
    %dma_wait3A_196 = tpu.memref_squeeze %dma_wait3A_195 : memref<1x128x128xf32, #tpu.memory_space<vmem>> -> memref<128x128xf32, #tpu.memory_space<vmem>>
    %dma_wait3A_197 = arith.constant 0 : i32
    %dma_wait3A_198 = arith.constant 0 : i32
    %dma_wait3A_199 = tpu.memref_slice %arg4[%dma_wait3A_197, %dma_wait3A_198] : memref<3276800x128xf32, #tpu.memory_space<hbm>> -> memref<128x128xf32, #tpu.memory_space<hbm>>
    %dma_wait3A_200 = arith.constant 0 : i32
    %dma_wait3A_201 = arith.constant 0 : i32
    %dma_wait3A_202 = tpu.memref_slice %arg6[%dma_wait3A_192, %dma_wait3A_200, %dma_wait3A_201] : memref<2x128x128xf32, #tpu.memory_space<vmem>> -> memref<1x128x128xf32, #tpu.memory_space<vmem>>
    %dma_wait3A_203 = tpu.memref_squeeze %dma_wait3A_202 : memref<1x128x128xf32, #tpu.memory_space<vmem>> -> memref<128x128xf32, #tpu.memory_space<vmem>>
    %dma_wait3A_204 = arith.constant 0 : i32
    %dma_wait3A_205 = arith.constant 0 : i32
    %dma_wait3A_206 = tpu.memref_slice %arg4[%dma_wait3A_204, %dma_wait3A_205] : memref<3276800x128xf32, #tpu.memory_space<hbm>> -> memref<128x128xf32, #tpu.memory_space<hbm>>
    tpu.wait_dma2 semaphore(%arg12 : memref<!tpu.dma_semaphore, #tpu.memory_space<semaphore_mem>>) src(%dma_wait3A_206 : memref<128x128xf32, #tpu.memory_space<hbm>>) dst(%dma_wait3A_203 : memref<128x128xf32, #tpu.memory_space<vmem>>)
    %dma_wait3A_207 = arith.constant 1 : i32
    %dma_wait3A_208 = arith.constant 0 : i32
    %dma_wait3A_209 = arith.constant 0 : i32
    %dma_wait3A_210 = tpu.memref_slice %arg6[%dma_wait3A_207, %dma_wait3A_208, %dma_wait3A_209] : memref<2x128x128xf32, #tpu.memory_space<vmem>> -> memref<1x128x128xf32, #tpu.memory_space<vmem>>
    %dma_wait3A_211 = tpu.memref_squeeze %dma_wait3A_210 : memref<1x128x128xf32, #tpu.memory_space<vmem>> -> memref<128x128xf32, #tpu.memory_space<vmem>>
    %dma_wait3A_212 = arith.constant 0 : i32
    %dma_wait3A_213 = arith.constant 0 : i32
    %dma_wait3A_214 = tpu.memref_slice %arg4[%dma_wait3A_212, %dma_wait3A_213] : memref<3276800x128xf32, #tpu.memory_space<hbm>> -> memref<128x128xf32, #tpu.memory_space<hbm>>
    %dma_wait3A_215 = arith.constant 0 : i32
    %dma_wait3A_216 = arith.constant 0 : i32
    %dma_wait3A_217 = tpu.memref_slice %arg6[%dma_wait3A_207, %dma_wait3A_215, %dma_wait3A_216] : memref<2x128x128xf32, #tpu.memory_space<vmem>> -> memref<1x128x128xf32, #tpu.memory_space<vmem>>
    %dma_wait3A_218 = tpu.memref_squeeze %dma_wait3A_217 : memref<1x128x128xf32, #tpu.memory_space<vmem>> -> memref<128x128xf32, #tpu.memory_space<vmem>>
    %dma_wait3A_219 = arith.constant 0 : i32
    %dma_wait3A_220 = arith.constant 0 : i32
    %dma_wait3A_221 = tpu.memref_slice %arg4[%dma_wait3A_219, %dma_wait3A_220] : memref<3276800x128xf32, #tpu.memory_space<hbm>> -> memref<128x128xf32, #tpu.memory_space<hbm>>
    tpu.wait_dma2 semaphore(%arg13 : memref<!tpu.dma_semaphore, #tpu.memory_space<semaphore_mem>>) src(%dma_wait3A_221 : memref<128x128xf32, #tpu.memory_space<hbm>>) dst(%dma_wait3A_218 : memref<128x128xf32, #tpu.memory_space<vmem>>)
    return
  }
}

</mosaic_0001>

<sc_bundles>
// kernel: kernel.3.cloned.1.call-start
scs
__scs_entry_jumppad:
0x0: {  	(pc) =	sbr.rel $0x88, $3  }
0x1: {  	(tag) =	ssettag $0x0;
	lr =	simm.s32 $0x1  }
0x2: {  	[smem:$0x3F9F] =	sst lr;
	_ =	strace $0xD0000000  }
0x3: {  	_ = 	snop  }
0x4: {  	_ = 	snop  }
0x5: {  	_ = 	snop  }
0x6: {  	_ = 	snop  }
0x7: {  	_ = 	snop  }
__scs_overlays_trampoline_lowered:
0x8: {  	[smem:$0x3FAE] =	sst s0  }
0x9: {  	[smem:$0x3FAF] =	sst s1  }
0xa: {  	[smem:$0x3FB0] =	sst s2  }
0xb: {  	[smem:$0x3FB1] =	sst s3  }
0xc: {  	[smem:$0x3FB2] =	sst s4  }
0xd: {  	[smem:$0x3FB3] =	sst s5  }
0xe: {  	[smem:$0x3FB4] =	sst s6  }
0xf: {  	[smem:$0x3FB5] =	sst s7  }
0x10: {  	[smem:$0x3FB6] =	sst s8  }
0x11: {  	[smem:$0x3FB7] =	sst s9;
	s0 =	simm.s32 @!p0 $0x0  }
0x12: {  	s1 =	sld [smem:$0x3F9D];
	s0 =	simm.s32 @p0 $0x1  }
0x13: {  	[smem:$0x3FB8] =	sst s0;
	s0 =	simm.s32 @!p1 $0x0  }
0x14: {  	s2 =	sld [smem:$0x3F9C];
	s0 =	simm.s32 @p1 $0x1  }
0x15: {  	[smem:$0x3FB9] =	sst s0;
	s0 =	simm.s32 @!p2 $0x0  }
0x16: {  	s3 =	sld [smem:$0x3FDB];
	s0 =	simm.s32 @p2 $0x1  }
0x17: {  	s4 =	simm.s32 $0x1BF5;
	[smem:$0x3FBB] =	sst s0  }
0x18: {  	s0 =	sld [smem:$0x3F9E];
	_ =	swait.ge [sflag:s4], $0x0  }
0x19: {  	s7 =	sld [smem:$0x3F9F]  }
0x1a: {  	s8 =	sadd.s32 $0xFFFFE003, lr  }
0x1b: {  	s9 =	sadd.s32 $0xFFFFFEF7, lr;
	s5 =	simm.s32 $0xFFFFFFFF;
	p2 =	slt.u32 s8, $0xFFFFF086  }
0x1c: {  	p1 =	slt.u32 s9, $0xF7A;
	s5 =	simm.s32 @!p2 $0x0  }
0x1d: {  	s5 =	simm.s32 @p1 $0x1;
	p0 =	seq.s32 s7, s2  }
0x1e: {  	s7 =	smul.u32 @!p0 $0xF7A, s2;
	p2 =	seq.s32 @!p0 s5, $0x0  }
0x1f: {  	s9 =	smul.u32 $0xF7A, s1;
	s8 =	simm.s32 @!p0 $0x1BF5;
	p2 =	por !p2, p0  }
0x20: {  	[sflag:s8] =	ssyncset.s32 @!p0 $0xFFFFF086;
	s6 =	sadd.s32 @!p0 s3, s7;
	s7 =	simm.s32 @!p0 $0x108  }
0x21: {  	s3 =	sadd.s32 s3, s9;
	s6 =	sadd.s32 @!p0 $0x88, s6;
	s7 =	simm.s32 @p2 $0x1082  }
0x22: {  	[simem:s7], [sflag:s8] =	dma.local @!p0 [hbm:s6], $0xF7A  }
0x23: {  	s9 =	sor.u32 $0xD0000000, s2;
	s6 =	simm.s32 $0x108;
	_ =	swait.ge @!p0 [sflag:s8], $0x0  }
0x24: {  	s3 =	sadd.s32 $0x88, s3;
	s6 =	simm.s32 @!p1 $0x1082;
	[sflag:s4] =	ssyncset.s32 $0xFFFFF086  }
0x25: {  	[simem:s6], [sflag:s4] =	dma.local [hbm:s3], $0xF7A  }
0x26: {  	[smem:$0x3F9F] =	sst s1;
	(tag) =	ssettag s2;
	_ =	strace s9  }
0x27: {  	s1 =	sld [smem:$0x3FAF]  }
0x28: {  	s2 =	sld [smem:$0x3FB0]  }
0x29: {  	s4 =	sld [smem:$0x3FB2]  }
0x2a: {  	p0 =	seq.s32 s5, $0x0;
	s5 =	sld [smem:$0x3FB3]  }
0x2b: {  	s6 =	sld [smem:$0x3FB4]  }
0x2c: {  	s7 =	sld [smem:$0x3FB5]  }
0x2d: {  	s3 =	simm.s32 $0x108;
	s8 =	sld [smem:$0x3FB6]  }
0x2e: {  	s3 =	simm.s32 @!p0 $0x1082;
	s9 =	sld [smem:$0x3FB7]  }
0x2f: {  	lr =	sadd.s32 s0, s3;
	s0 =	sld [smem:$0x3FAE]  }
0x30: {  	s3 =	sld [smem:$0x3FB1]  }
0x31: {  	[smem:$0x3FBA] =	sst s10  }
0x32: {  	s10 =	sld [smem:$0x3FB8];
	_ =	sdelay $0x3  }
0x33: {  	p0 =	seq.s32 s10, $0x1;
	s10 =	sld [smem:$0x3FBA];
	_ =	sdelay $0x3  }
0x34: {  	[smem:$0x3FBA] =	sst s10  }
0x35: {  	s10 =	sld [smem:$0x3FB9];
	_ =	sdelay $0x3  }
0x36: {  	p1 =	seq.s32 s10, $0x1;
	s10 =	sld [smem:$0x3FBA];
	_ =	sdelay $0x3  }
0x37: {  	[smem:$0x3FBA] =	sst s10  }
0x38: {  	s10 =	sld [smem:$0x3FBB]  }
0x39: {  	_ = 	snop;
	(pc) =	sbr.ind lr, $3  }
0x3a: {  	_ = 	snop  }
0x3b: {  	_ = 	snop  }
0x3c: {  	p2 =	seq.s32 s10, $0x1;
	s10 =	sld [smem:$0x3FBA]  }
0x3d: {  	_ =	shalt  }
0x3e: {  	_ =	shalt  }
0x3f: {  	_ =	shalt  }
0x40: {  	_ =	shalt  }
0x41: {  	_ =	shalt  }
0x42: {  	_ =	shalt  }
0x43: {  	_ =	shalt  }
0x44: {  	_ =	shalt  }
0x45: {  	_ =	shalt  }
0x46: {  	_ =	shalt  }
0x47: {  	_ =	shalt  }
0x48: {  	_ =	shalt  }
0x49: {  	_ =	shalt  }
0x4a: {  	_ =	shalt  }
0x4b: {  	_ =	shalt  }
0x4c: {  	_ =	shalt  }
0x4d: {  	_ =	shalt  }
0x4e: {  	_ =	shalt  }
0x4f: {  	_ =	shalt  }
0x50: {  	_ =	shalt  }
0x51: {  	_ =	shalt  }
0x52: {  	_ =	shalt  }
0x53: {  	_ =	shalt  }
0x54: {  	_ =	shalt  }
0x55: {  	_ =	shalt  }
0x56: {  	_ =	shalt  }
0x57: {  	_ =	shalt  }
0x58: {  	_ =	shalt  }
0x59: {  	_ =	shalt  }
0x5a: {  	_ =	shalt  }
0x5b: {  	_ =	shalt  }
0x5c: {  	_ =	shalt  }
0x5d: {  	_ =	shalt  }
0x5e: {  	_ =	shalt  }
0x5f: {  	_ =	shalt  }
0x60: {  	_ =	shalt  }
0x61: {  	_ =	shalt  }
0x62: {  	_ =	shalt  }
0x63: {  	_ =	shalt  }
0x64: {  	_ =	shalt  }
0x65: {  	_ =	shalt  }
0x66: {  	_ =	shalt  }
0x67: {  	_ =	shalt  }
0x68: {  	_ =	shalt  }
0x69: {  	_ =	shalt  }
0x6a: {  	_ =	shalt  }
0x6b: {  	_ =	shalt  }
0x6c: {  	_ =	shalt  }
0x6d: {  	_ =	shalt  }
0x6e: {  	_ =	shalt  }
0x6f: {  	_ =	shalt  }
0x70: {  	_ =	shalt  }
0x71: {  	_ =	shalt  }
0x72: {  	_ =	shalt  }
0x73: {  	_ =	shalt  }
0x74: {  	_ =	shalt  }
0x75: {  	_ =	shalt  }
0x76: {  	_ =	shalt  }
0x77: {  	_ =	shalt  }
0x78: {  	_ =	shalt  }
0x79: {  	_ =	shalt  }
0x7a: {  	_ =	shalt  }
0x7b: {  	_ =	shalt  }
0x7c: {  	_ =	shalt  }
0x7d: {  	_ =	shalt  }
0x7e: {  	_ =	shalt  }
0x7f: {  	_ =	shalt  }
0x80: {  	_ =	shalt  }
0x81: {  	_ =	shalt  }
0x82: {  	_ =	shalt  }
0x83: {  	_ =	shalt  }
0x84: {  	_ =	shalt  }
0x85: {  	_ =	shalt  }
0x86: {  	_ =	shalt  }
0x87: {  	_ =	shalt  }
.Lfunc_end0:
.L_simem_size_0:
called_computation.1_lowered:
.L_overlay_start_0:
0x88: {  	s2 =	sld [smem:$0x3FD9]  }
0x89: {  	s3 =	sld [smem:$0x3FFE];
	_ =	sdelay $0x1  }
0x8a: {  	s1 =	srdreg.scid  }
0x8b: {  	s0 =	sand.u32 $0x1, s1  }
0x8c: {  	s17 =	sshll.u32 s0, $0xA;
	s2 =	sadd.s32 s3, s2  }
0x8d: {  	s2 =	sadd.s32 s2, s17  }
0x8e: {  	[smem:$0x3FC6] =	sst s2  }
0x8f: {  	_ = 	snop  }
0x90: {  	s2 =	sld [smem:$0x3FD0];
	(tm) =	ssettm $0x1  }
0x91: {  	s18 =	sld [smem:$0x3FFB];
	_ =	sdelay $0x3  }
0x92: {  	_ =	strace s18  }
0x93: {  	s3 =	sld [smem:$0x3FFC];
	_ =	sdelay $0x3  }
0x94: {  	_ =	strace s3  }
0x95: {  	s3 =	sld [smem:$0x3FFD];
	_ =	sdelay $0x3  }
0x96: {  	_ =	strace s3  }
0x97: {  	_ =	strace $0x8FFFFFFF  }
0x98: {  	s19 =	sld [smem:$0x3FDB];
	_ =	sdelay $0x1  }
0x99: {  	s4 =	simm.s32 $_scs_section_size  }
0x9a: {  	s5 =	simm.s32 $_size__tile_overlayer_lowered;
	s6 =	simm.s32 $_tile_overlayer_lowered  }
0x9b: {  	s22 =	simm.s32 $0x1BFF;
	s21 =	sshll.u32 s6, $0x1;
	s3 =	sadd.s32 s4, s19  }
0x9c: {  	s7 =	simm.s32 $0x0;
	s20 =	sshll.u32 s5, $0x1;
	s5 =	sadd.s32 s21, s3  }
0x9d: {  	[timem:s7], [sflag:s22] =	dma.local [hbm:s5], s20  }
0x9e: {  	_ =	swait.ge [sflag:s22], s20  }
0x9f: {  	s4 =	ssub.s32 $0x0, s20;
	[sflag:s22] =	ssyncset.done $0x0  }
0xa0: {  	[sflag:s22] =	ssyncadd.s32 s4;
	_ =	sdelay $0x1  }
0xa1: {  	s23 =	simm.s32 $0x1B8B  }
0xa2: {  	_ =	swait.ge [sflag:s23], $0x1  }
0xa3: {  	[sflag:s23] =	ssyncset.done $0x0  }
0xa4: {  	s25 =	simm.s32 $0x1B8E;
	s24 =	sld [smem:$0x3FFE];
	[sflag:s23] =	ssyncadd.s32 $0xFFFFFFFF  }
0xa5: {  	s26 =	simm.s32 $execute0_lowered;
	[smem:$0x3FD2] =	sst s25  }
0xa6: {  	s5 =	sshll.u32 s26, $0x1;
	_ =	strace $0x80000046;
	[dreg:$0x1] =	wrdreg $0xFFFFFFFF  }
0xa7: {  	s28 =	simm.s32 $_size_execute0_lowered;
	s3 =	sadd.s32 s3, s5;
	[dreg:$0x0] =	wrdreg $0x0  }
0xa8: {  	s5 =	sshll.u32 s28, $0x1;
	[dreg:$0x2] =	wrdreg s3  }
0xa9: {  	[dreg:$0x3] =	wrdreg s5  }
0xaa: {  	[dreg:$0x4] =	wrdreg $0xC0  }
0xab: {  	_ =	task [dreg:s7], $0x5FFFF  }
0xac: {  	[dreg:$0x1] =	wrdreg $0xFFFFFFFF  }
0xad: {  	[dreg:$0x0] =	wrdreg $0x60  }
0xae: {  	[dreg:$0x2] =	wrdreg s2  }
0xaf: {  	[dreg:$0x3] =	wrdreg s24  }
0xb0: {  	[dreg:$0x4] =	wrdreg $0x81000  }
0xb1: {  	[dreg:$0x5] =	wrdreg $0x9  }
0xb2: {  	_ =	task.clear_ibuf [dreg:s7], $0x6FFFF;
	_ =	strace $0x90000046  }
0xb3: {  	s29 =	simm.s32 $0x9;
	_ =	strace $0x80000048  }
0xb4: {  	_ =	swait.ge [sflag:s29], $0x1  }
0xb5: {  	[sflag:s29] =	ssyncadd.s32 $0xFFFFFFFF  }
0xb6: {  	_ =	strace $0x90000048  }
0xb7: {  	_ =	sfence  }
0xb8: {  	s30 =	sld [smem:$0x0];
	_ =	sdelay $0x2  }
0xb9: {  	s31 =	sshll.u32 s1, $0xD;
	s1 =	sshrl.u32 s1, $0x2  }
0xba: {  	s3 =	sand.u32 $0x4000, s31;
	s1 =	sadd.s32 s1, s30  }
0xbb: {  	s0 =	sor.u32 s3, s0;
	s1 =	sshll.u32 s1, $0x11  }
0xbc: {  	s0 =	sor.u32 s1, s0  }
0xbd: {  	s0 =	sadd.s32 $0x8F2B, s0  }
0xbe: {  	[sflag:s0] =	ssyncadd.remote.s32 $0x1  }
0xbf: {  	_ =	sfence.sel $0xFFFF  }
0xc0: {  	[dreg:$0x0] =	wrdreg $0xFFFFFFFF;
	(pc) =	sbr.abs _section_cstart, $3  }
0xc1: {  	[dreg:$0x1] =	wrdreg $0xFFFFFFFF  }
0xc2: {  	_ =	task.clear_ibuf [dreg:s7], $0x2FFFF;
	_ =	strace $0x9FFFFFFF  }
0xc3: {  	(tm) =	ssettm $0x7FFFFFFF  }
tec
execute0_lowered:
.L_overlay_start_1:
0x0: {  	(tag) =	ssettag $0x1  }
0x1: {  	s1 =	rddreg [dreg:$0x0]  }
0x2: {  	s0 =	rddreg [dreg:$0x1]  }
0x3: {  	s3 =	rddreg [dreg:$0x2];
	s4 =	simm.s32 $0x0;
	s11 =	stileid.u32  }
0x4: {  	s5 =	srdreg.scid;
	s28 =	simm.s32 $0x5;
	s29 =	simm.s32 $0x4  }
0x5: {  	s30 =	simm.s32 $0x6;
	s31 =	simm.s32 $0x0;
	s15 =	smul.u32 $0x1900000, s11  }
0x6: {  	[smem:$0x7FF] =	sst s4;
	s5 =	sand.u32 $0x1, s5;
	s24 =	smul.u32 $0x320000, s11  }
0x7: {  	s2 =	sshll.u32 s11, $0xD;
	s7 =	sshll.u32 s11, $0x1;
	s17 =	smul.u32 $0xC80000, s5  }
0x8: {  	s10 =	sshll.u32 s11, $0x10;
	s19 =	sshll.u32 s11, $0x6;
	s25 =	smul.u32 $0x190000, s5  }
0x9: {  	s6 =	ssub.s32 $0x2, s5;
	s9 =	sor.u32 s5, s7;
	s5 =	smul.u32 $0x3200, s5  }
0xa: {  	_ =	strace $0x80000047;
	s2 =	sadd.s32 s2, s0;
	s18 =	smul.u32 $0x3200, s9  }
0xb: {  	s0 =	sadd.s32 $0x20800, s0;
	s12 =	sadd.s32 s10, s3;
	s10 =	smul.u32 $0xC80000, s9  }
0xc: {  	s8 =	sshrl.u32 s6, $0x1;
	s2 =	sadd.s32 $0x800, s2;
	s20 =	smul.u32 $0x190000, s9  }
0xd: {  	s6 =	ssub.s32 s6, s8;
	[dreg:$0x4] =	wrdreg s2;
	s2 =	sor.u32 $0x1C07, s19  }
0xe: {  	s15 =	sadd.s32 s17, s15;
	s19 =	sshrl.u32 s12, $0x3;
	[dreg:$0x5] =	wrdreg s2  }
0xf: {  	s7 =	sadd.s32 s1, s18;
	s10 =	sshrl.u32 s10, $0x3;
	s6 =	smax.u32 s6, $0x1  }
0x10: {  	s18 =	smul.u32 $0x6400, s11;
	s17 =	sor.u32 $0x8000, s15;
	s2 =	sadd.s32 s24, s0  }
0x11: {  	s24 =	simm.s32 $0x2;
	s21 =	sadd.s32 $0x10, s7;
	s22 =	sadd.s32 $0x20, s7  }
0x12: {  	s16 =	sadd.s32 s0, s10;
	s10 =	sadd.s32 s0, s20;
	[dreg:$0x9] =	wrdreg s6  }
0x13: {  	s13 =	sadd.s32 $0x31F0, s7;
	s26 =	sshrl.u32 s17, $0x3;
	s2 =	sadd.s32 s25, s2  }
0x14: {  	s20 =	simm.s32 $0x7;
	s25 =	simm.s32 $0x4100;
	[dreg:$0x6] =	wrdreg s21  }
0x15: {  	[dreg:$0x7] =	wrdreg s22;
	s23 =	sadd.s32 $0x18F800, s16;
	s14 =	sadd.s32 $0x18E800, s10  }
0x16: {  	s15 =	sadd.s32 $0x18F000, s16;
	s6 =	sadd.s32 s26, s0;
	s17 =	sadd.s32 $0x800, s2  }
0x17: {  	s18 =	sadd.s32 s5, s18;
	s21 =	simm.s32 $0x80;
	s22 =	simm.s32 $0x1  }
0x18: {  	s26 =	simm.s32 $0x3;
	[dreg:$0x8] =	wrdreg s23;
	s23 =	simm.s32 $0x100  }
.LBB2_1:
0x19: {  	s0 =	rddreg [dreg:$0x4]  }
0x1a: {  	s2 =	rddreg [dreg:$0x5]  }
0x1b: {  	[spmem:s19], [sflag:s2] =	dma.local [hbm:s0], $0x2000  }
0x1c: {  	_ =	swait.ge [sflag:s20], $0x2000  }
0x1d: {  	[sflag:s20] =	ssyncset.done $0x0  }
0x1e: {  	[sflag:s20] =	ssyncadd.s32 $0xFFFFE000  }
0x1f: {  	[bflag:$0x0] =	sbarrier.arrive $0xFFFF  }
0x20: {  	[tilespmem:s4], [sflag:$0x1] =	stream.linear.gather [hbm4b:s7+s4], $0x80, $0x38;
	[tilespmem:$0x18100] =	vst v63  }
0x21: {  	s5 =	rddreg [dreg:$0x6]  }
0x22: {  	[tilespmem:s21], [sflag:$0x2] =	stream.linear.gather [hbm4b:s5+s4], $0x80, $0x38;
	[tilespmem:$0x18100] =	vst v63  }
0x23: {  	_ =	swait.ge [sflag:s22], $0x80  }
0x24: {  	[sflag:s22] =	ssyncset.done $0x0  }
0x25: {  	[sflag:s22] =	ssyncadd.s32 $0xFFFFFF80  }
0x26: {  	[tilespmem:s23], [sflag:$0x3] =	stream.indirect.gather [spmem:s3], $0x80, s4, s21, $0xb8;
	[tilespmem:$0x18100] =	vst v63  }
0x27: {  	_ =	swait.ge [sflag:s24], $0x80  }
0x28: {  	[sflag:s24] =	ssyncset.done $0x0  }
0x29: {  	[sflag:s24] =	ssyncadd.s32 $0xFFFFFF80  }
0x2a: {  	[tilespmem:s25], [sflag:$0x4] =	stream.indirect.gather [spmem:s3], $0x80, s21, s21, $0xb8;
	[tilespmem:$0x18100] =	vst v63  }
0x2b: {  	_ =	swait.ge [sflag:s26], $0x4000  }
0x2c: {  	[sflag:s26] =	ssyncset.done $0x0  }
0x2d: {  	s8 =	rddreg [dreg:$0x7];
	[sflag:s26] =	ssyncadd.s32 $0xFFFFC000  }
0x2e: {  	[tilespmem:s4], [sflag:$0x1] =	stream.linear.gather [hbm4b:s8+s4], $0x80, $0x38;
	[tilespmem:$0x18100] =	vst v63  }
0x2f: {  	_ = 	snop  }
0x30: {  	[hbm4b:s10+s4] =	stream.linear.scatter [tilespmem:s23], [sflag:$0x5], $0x4000, $0x38;
	[tilespmem:$0x18100] =	vst v63  }
0x31: {  	_ =	swait.ge [sflag:s22], $0x80  }
0x32: {  	[sflag:s22] =	ssyncset.done $0x0  }
0x33: {  	[sflag:s22] =	ssyncadd.s32 $0xFFFFFF80  }
0x34: {  	_ =	swait.ge [sflag:s28], $0x4000  }
0x35: {  	s9 =	sadd.s32 $0x40, s18;
	s11 =	simm.s32 $0x20;
	[sflag:s28] =	ssyncset.done $0x0  }
0x36: {  	s2 =	sand.u32 $0x60, s11;
	s5 =	sadd.s32 $0xFFFFFFE0, s9;
	[sflag:s28] =	ssyncadd.s32 $0xFFFFC000  }
0x37: {  	[tilespmem:s23], [sflag:$0x3] =	stream.indirect.gather [spmem:s3], $0x80, s4, s21, $0xb8;
	[tilespmem:$0x18100] =	vst v63  }
0x38: {  	s2 =	sadd.s32 s2, s1;
	s5 =	sand.u32 $0xFFFFF80, s5;
	_ =	swait.ge [sflag:s29], $0x4000  }
0x39: {  	s2 =	sadd.s32 s5, s2;
	[sflag:s29] =	ssyncset.done $0x0  }
0x3a: {  	s2 =	sadd.s32 $0x10, s2;
	[sflag:s29] =	ssyncadd.s32 $0xFFFFC000  }
0x3b: {  	[tilespmem:s21], [sflag:$0x2] =	stream.linear.gather [hbm4b:s2+s4], $0x80, $0x38;
	[tilespmem:$0x18100] =	vst v63  }
0x3c: {  	_ = 	snop  }
0x3d: {  	[hbm4b:s17+s4] =	stream.linear.scatter [tilespmem:s25], [sflag:$0x6], $0x4000, $0x38;
	[tilespmem:$0x18100] =	vst v63  }
0x3e: {  	_ =	swait.ge [sflag:s24], $0x80  }
0x3f: {  	[sflag:s24] =	ssyncset.done $0x0  }
0x40: {  	[sflag:s24] =	ssyncadd.s32 $0xFFFFFF80  }
0x41: {  	_ =	swait.ge [sflag:s30], $0x4000  }
0x42: {  	s12 =	simm.s32 $0x40;
	[sflag:s30] =	ssyncset.done $0x0  }
0x43: {  	s16 =	sand.u32 $0xFFFFF80, s9;
	s2 =	sand.u32 $0x70, s12;
	[sflag:s30] =	ssyncadd.s32 $0xFFFFC000  }
0x44: {  	[tilespmem:s25], [sflag:$0x4] =	stream.indirect.gather [spmem:s3], $0x80, s21, s21, $0xb8;
	[tilespmem:$0x18100] =	vst v63  }
0x45: {  	s0 =	simm.s32 $0x60;
	s2 =	sadd.s32 s1, s2;
	_ =	swait.ge [sflag:s26], $0x4000  }
0x46: {  	s5 =	sadd.s32 $0x1000, s17;
	s8 =	sadd.s32 s16, s2;
	[sflag:s26] =	ssyncset.done $0x0  }
0x47: {  	s2 =	sadd.s32 $0x1000, s6;
	s16 =	smov.u32 s6;
	[sflag:s26] =	ssyncadd.s32 $0xFFFFC000  }
.LBB2_2:
0x48: {  	[tilespmem:s4], [sflag:$0x1] =	stream.linear.gather [hbm4b:s8+s4], $0x80, $0x38;
	[tilespmem:$0x18100] =	vst v63  }
0x49: {  	p0 =	sne.s32 s0, $0x31E0;
	s8 =	smov.u32 s0;
	s0 =	sadd.s32 $0x20, s0  }
0x4a: {  	[hbm4b:s16+s4] =	stream.linear.scatter [tilespmem:s23], [sflag:$0x5], $0x4000, $0x38;
	[tilespmem:$0x18100] =	vst v63  }
0x4b: {  	s16 =	smov.u32 s2;
	_ =	swait.ge [sflag:s22], $0x80  }
0x4c: {  	[sflag:s22] =	ssyncset.done $0x0  }
0x4d: {  	[sflag:s22] =	ssyncadd.s32 $0xFFFFFF80;
	_ =	sdelay $0x1  }
0x4e: {  	s9 =	sadd.s32 s8, s18;
	s11 =	sadd.s32 $0xFFFFFFE0, s8;
	_ =	swait.ge [sflag:s28], $0x4000  }
0x4f: {  	s12 =	sadd.s32 $0xFFFFFFE0, s9;
	s11 =	sand.u32 $0x60, s11;
	[sflag:s28] =	ssyncset.done $0x0  }
0x50: {  	s12 =	sand.u32 $0xFFFFF80, s12;
	s11 =	sadd.s32 s11, s1;
	[sflag:s28] =	ssyncadd.s32 $0xFFFFC000  }
0x51: {  	[tilespmem:s23], [sflag:$0x3] =	stream.indirect.gather [spmem:s3], $0x80, s4, s21, $0xb8;
	[tilespmem:$0x18100] =	vst v63  }
0x52: {  	s9 =	sand.u32 $0xFFFFF80, s9;
	s11 =	sadd.s32 s12, s11;
	_ =	swait.ge [sflag:s29], $0x4000  }
0x53: {  	s11 =	sadd.s32 $0x10, s11;
	[sflag:s29] =	ssyncset.done $0x0  }
0x54: {  	[sflag:s29] =	ssyncadd.s32 $0xFFFFC000  }
0x55: {  	[tilespmem:s21], [sflag:$0x2] =	stream.linear.gather [hbm4b:s11+s4], $0x80, $0x38;
	[tilespmem:$0x18100] =	vst v63  }
0x56: {  	_ = 	snop  }
0x57: {  	[hbm4b:s5+s4] =	stream.linear.scatter [tilespmem:s25], [sflag:$0x6], $0x4000, $0x38;
	[tilespmem:$0x18100] =	vst v63  }
0x58: {  	_ =	swait.ge [sflag:s24], $0x80  }
0x59: {  	[sflag:s24] =	ssyncset.done $0x0  }
0x5a: {  	[sflag:s24] =	ssyncadd.s32 $0xFFFFFF80  }
0x5b: {  	_ =	swait.ge [sflag:s30], $0x4000  }
0x5c: {  	[sflag:s30] =	ssyncset.done $0x0  }
.Ltmp0:
0x5d: {  	s8 =	sand.u32 $0x70, s8;
	[sflag:s30] =	ssyncadd.s32 $0xFFFFC000;
	(pc) =	sbr.rel @p0 .LBB2_2-.Ltmp0, $4  }
0x5e: {  	[tilespmem:s25], [sflag:$0x4] =	stream.indirect.gather [spmem:s3], $0x80, s21, s21, $0xb8;
	[tilespmem:$0x18100] =	vst v63  }
0x5f: {  	s8 =	sadd.s32 s1, s8;
	_ =	swait.ge [sflag:s26], $0x4000  }
0x60: {  	s8 =	sadd.s32 s9, s8;
	[sflag:s26] =	ssyncset.done $0x0  }
0x61: {  	s2 =	sadd.s32 $0x1000, s2;
	s5 =	sadd.s32 $0x1000, s5;
	[sflag:s26] =	ssyncadd.s32 $0xFFFFC000  }
0x62: {  	[tilespmem:s4], [sflag:$0x1] =	stream.linear.gather [hbm4b:s8+s4], $0x80, $0x38;
	[tilespmem:$0x18100] =	vst v63  }
0x63: {  	_ = 	snop  }
0x64: {  	[hbm4b:s16+s4] =	stream.linear.scatter [tilespmem:s23], [sflag:$0x5], $0x4000, $0x38;
	[tilespmem:$0x18100] =	vst v63  }
0x65: {  	_ =	swait.ge [sflag:s22], $0x80  }
0x66: {  	[sflag:s22] =	ssyncset.done $0x0  }
0x67: {  	[sflag:s22] =	ssyncadd.s32 $0xFFFFFF80  }
0x68: {  	_ =	swait.ge [sflag:s28], $0x4000  }
0x69: {  	[sflag:s28] =	ssyncset.done $0x0  }
0x6a: {  	[sflag:s28] =	ssyncadd.s32 $0xFFFFC000  }
0x6b: {  	[tilespmem:s23], [sflag:$0x3] =	stream.indirect.gather [spmem:s3], $0x80, s4, s21, $0xb8;
	[tilespmem:$0x18100] =	vst v63  }
0x6c: {  	_ =	swait.ge [sflag:s29], $0x4000  }
0x6d: {  	[sflag:s29] =	ssyncset.done $0x0  }
0x6e: {  	[sflag:s29] =	ssyncadd.s32 $0xFFFFC000  }
0x6f: {  	[tilespmem:s21], [sflag:$0x2] =	stream.linear.gather [hbm4b:s13+s4], $0x80, $0x38;
	[tilespmem:$0x18100] =	vst v63  }
0x70: {  	_ = 	snop  }
0x71: {  	[hbm4b:s14+s4] =	stream.linear.scatter [tilespmem:s25], [sflag:$0x6], $0x4000, $0x38;
	[tilespmem:$0x18100] =	vst v63  }
0x72: {  	_ =	swait.ge [sflag:s24], $0x80  }
0x73: {  	[sflag:s24] =	ssyncset.done $0x0  }
0x74: {  	[sflag:s24] =	ssyncadd.s32 $0xFFFFFF80  }
0x75: {  	_ =	swait.ge [sflag:s30], $0x4000  }
0x76: {  	[sflag:s30] =	ssyncset.done $0x0  }
0x77: {  	[sflag:s30] =	ssyncadd.s32 $0xFFFFC000  }
0x78: {  	[tilespmem:s25], [sflag:$0x4] =	stream.indirect.gather [spmem:s3], $0x80, s21, s21, $0xb8;
	[tilespmem:$0x18100] =	vst v63  }
0x79: {  	_ =	swait.ge [sflag:s26], $0x4000  }
0x7a: {  	[sflag:s26] =	ssyncset.done $0x0  }
0x7b: {  	[sflag:s26] =	ssyncadd.s32 $0xFFFFC000  }
0x7c: {  	[tilespmem:s4], [sflag:$0x1] =	stream.linear.gather [hbm4b:s13+s4], $0x80, $0x38;
	[tilespmem:$0x18100] =	vst v63  }
0x7d: {  	_ = 	snop  }
0x7e: {  	[hbm4b:s15+s4] =	stream.linear.scatter [tilespmem:s23], [sflag:$0x5], $0x4000, $0x38;
	[tilespmem:$0x18100] =	vst v63  }
0x7f: {  	_ =	swait.ge [sflag:s22], $0x80  }
0x80: {  	[sflag:s22] =	ssyncset.done $0x0  }
0x81: {  	[sflag:s22] =	ssyncadd.s32 $0xFFFFFF80  }
0x82: {  	_ =	swait.ge [sflag:s29], $0x4000  }
0x83: {  	[sflag:s29] =	ssyncset.done $0x0  }
0x84: {  	s0 =	rddreg [dreg:$0x8];
	[sflag:s29] =	ssyncadd.s32 $0xFFFFC000  }
0x85: {  	[hbm4b:s0+s4] =	stream.linear.scatter [tilespmem:s25], [sflag:$0x6], $0x4000, $0x38;
	[tilespmem:$0x18100] =	vst v63  }
0x86: {  	_ =	swait.ge [sflag:s28], $0x4000  }
0x87: {  	[sflag:s28] =	ssyncset.done $0x0  }
0x88: {  	[sflag:s28] =	ssyncadd.s32 $0xFFFFC000  }
0x89: {  	_ =	swait.ge [sflag:s30], $0x4000  }
0x8a: {  	s31 =	sadd.s32 $0x1, s31;
	s16 =	rddreg [dreg:$0x9]  }
0x8b: {  	p0 =	sne.s32 s31, s16  }
.Ltmp1:
0x8c: {  	_ = 	snop;
	(pc) =	sbr.rel @p0 .LBB2_1-.Ltmp1, $3  }
0x8d: {  	_ =	sdelay $0x1  }
0x8e: {  	[sflag:s30] =	ssyncset.done $0x0  }
0x8f: {  	[sflag:s30] =	ssyncadd.s32 $0xFFFFC000  }
0x90: {  	_ =	sfence.sel $0x180000  }
0x91: {  	[bflag:$0x0] =	sbarrier.arrive $0xFFFF  }
0x92: {  	_ =	strace $0x90000047  }
0x93: {  	s0 =	stileid.u32;
	[bflag:$0x2] =	sbarrier.arrive $0xFFFF  }
0x94: {  	p0 =	sne.s32 s0, $0x0;
	s0 =	rddreg [dreg:$0x3]  }
0x95: {  	s0 =	sadd.s32 @!p0 $0x100000, s0  }
0x96: {  	[sflag:s0] =	ssyncadd.tile.s32 @!p0 $0x1;
	_ =	shalt  }
.Lfunc_end2:
_tile_overlayer_lowered:
.L_overlay_start_2:
0x97: {  	(tag) =	ssettag $0x2  }
0x98: {  	s0 =	rddreg [dreg:$0x0];
	s2 =	stileid.u32  }
0x99: {  	s1 =	rddreg [dreg:$0x1];
	p0 =	sne.s32 s2, $0x0  }
0x9a: {  	s3 =	rddreg [dreg:$0x2];
	[bflag:$0x3] =	sbarrier.arrive $0xFFFF;
	s2 =	simm.s32 @!p0 $0x1C07  }
0x9b: {  	[timem:s3], [sflag:s2] =	dma.local @!p0 [hbm:s0], s1  }
0x9c: {  	s0 =	simm.s32 @!p0 $0x7  }
0x9d: {  	_ =	swait.ge @!p0 [sflag:s0], s1  }
0x9e: {  	s1 =	ssub.s32 @!p0 $0x0, s1;
	[sflag:s0] =	ssyncset.done @!p0 $0x0  }
0x9f: {  	[sflag:s0] =	ssyncadd.s32 @!p0 s1  }
0xa0: {  	[bflag:$0x3] =	sbarrier.arrive $0xFFFF  }
0xa1: {  	_ =	shalt  }

// kernel: sparse-core-data-format-call.cloned.1.call-start
scs
called_computation_lowered:
.L_overlay_start_0:
0x0: {  	s2 =	sld [smem:$0x3FD9]  }
0x1: {  	s3 =	sld [smem:$0x3FFE];
	_ =	sdelay $0x1  }
0x2: {  	s1 =	srdreg.scid  }
0x3: {  	s0 =	sand.u32 $0x1, s1  }
0x4: {  	s18 =	sshll.u32 s0, $0xA;
	s2 =	sadd.s32 s3, s2  }
0x5: {  	s2 =	sadd.s32 s2, s18  }
0x6: {  	[smem:$0x3FC6] =	sst s2  }
0x7: {  	_ = 	snop  }
0x8: {  	s2 =	sld [smem:$0x3FD0];
	(tm) =	ssettm $0x1  }
0x9: {  	s19 =	sld [smem:$0x3FFB];
	_ =	sdelay $0x3  }
0xa: {  	_ =	strace s19  }
0xb: {  	s3 =	sld [smem:$0x3FFC];
	_ =	sdelay $0x3  }
0xc: {  	_ =	strace s3  }
0xd: {  	s3 =	sld [smem:$0x3FFD];
	_ =	sdelay $0x3  }
0xe: {  	_ =	strace s3  }
0xf: {  	_ =	strace $0x8FFFFFFF  }
0x10: {  	s20 =	sld [smem:$0x3FDB];
	_ =	sdelay $0x1  }
0x11: {  	s4 =	simm.s32 $_scs_section_size  }
0x12: {  	s5 =	simm.s32 $_size__tile_overlayer_lowered;
	s6 =	simm.s32 $_tile_overlayer_lowered  }
0x13: {  	s23 =	simm.s32 $0x1BFF;
	s22 =	sshll.u32 s6, $0x1;
	s3 =	sadd.s32 s4, s20  }
0x14: {  	s7 =	simm.s32 $0x0;
	s21 =	sshll.u32 s5, $0x1;
	s5 =	sadd.s32 s22, s3  }
0x15: {  	[timem:s7], [sflag:s23] =	dma.local [hbm:s5], s21  }
0x16: {  	_ =	swait.ge [sflag:s23], s21  }
0x17: {  	s4 =	ssub.s32 $0x0, s21;
	[sflag:s23] =	ssyncset.done $0x0  }
0x18: {  	[sflag:s23] =	ssyncadd.s32 s4;
	_ =	sdelay $0x1  }
0x19: {  	s24 =	simm.s32 $0x1B8B  }
0x1a: {  	_ =	swait.ge [sflag:s24], $0x1  }
0x1b: {  	[sflag:s24] =	ssyncset.done $0x0  }
0x1c: {  	s26 =	simm.s32 $0x1B8E;
	s25 =	sld [smem:$0x3FFE];
	[sflag:s24] =	ssyncadd.s32 $0xFFFFFFFF  }
0x1d: {  	s27 =	simm.s32 $execute0_lowered;
	[smem:$0x3FD2] =	sst s26  }
0x1e: {  	s5 =	sshll.u32 s27, $0x1;
	_ =	strace $0x80000049;
	[dreg:$0x1] =	wrdreg $0xFFFFFFFF  }
0x1f: {  	s28 =	simm.s32 $_size_execute0_lowered;
	s3 =	sadd.s32 s3, s5;
	[dreg:$0x0] =	wrdreg $0x0  }
0x20: {  	s5 =	sshll.u32 s28, $0x1;
	[dreg:$0x2] =	wrdreg s3  }
0x21: {  	[dreg:$0x3] =	wrdreg s5  }
0x22: {  	[dreg:$0x4] =	wrdreg $0xC0  }
0x23: {  	_ =	task [dreg:s7], $0x5FFFF  }
0x24: {  	[dreg:$0x1] =	wrdreg $0xFFFFFFFF  }
0x25: {  	[dreg:$0x0] =	wrdreg $0x60  }
0x26: {  	[dreg:$0x2] =	wrdreg s25  }
0x27: {  	[dreg:$0x3] =	wrdreg s2  }
0x28: {  	[dreg:$0x4] =	wrdreg $0x9  }
0x29: {  	_ =	task.clear_ibuf [dreg:s7], $0x5FFFF;
	_ =	strace $0x90000049  }
0x2a: {  	s29 =	simm.s32 $0x9;
	_ =	strace $0x8000004B  }
0x2b: {  	_ =	swait.ge [sflag:s29], $0x1  }
0x2c: {  	[sflag:s29] =	ssyncadd.s32 $0xFFFFFFFF  }
0x2d: {  	_ =	strace $0x9000004B  }
0x2e: {  	_ =	sfence  }
0x2f: {  	s30 =	sld [smem:$0x0];
	_ =	sdelay $0x2  }
0x30: {  	s31 =	sshll.u32 s1, $0xD;
	s1 =	sshrl.u32 s1, $0x2  }
0x31: {  	s3 =	sand.u32 $0x4000, s31;
	s1 =	sadd.s32 s1, s30  }
0x32: {  	s0 =	sor.u32 s3, s0;
	s1 =	sshll.u32 s1, $0x11  }
0x33: {  	s0 =	sor.u32 s1, s0  }
0x34: {  	s0 =	sadd.s32 $0x8F2B, s0  }
0x35: {  	[sflag:s0] =	ssyncadd.remote.s32 $0x1  }
0x36: {  	_ =	sfence.sel $0xFFFF  }
0x37: {  	[dreg:$0x0] =	wrdreg $0xFFFFFFFF;
	(pc) =	sbr.abs _section_cstart, $3  }
0x38: {  	[dreg:$0x1] =	wrdreg $0xFFFFFFFF  }
0x39: {  	_ =	task.clear_ibuf [dreg:s7], $0x2FFFF;
	_ =	strace $0x9FFFFFFF  }
0x3a: {  	(tm) =	ssettm $0x7FFFFFFF  }
0x3b: {  	_ =	shalt  }
tec
execute0_lowered:
.L_overlay_start_1:
0x0: {  	(tag) =	ssettag $0x1  }
0x1: {  	s0 =	srdreg.scid  }
0x2: {  	s1 =	sshll.u32 s0, $0x4  }
0x3: {  	s0 =	stileid.u32;
	s1 =	sand.u32 $0x10, s1  }
0x4: {  	s1 =	sor.u32 s0, s1  }
0x5: {  	s6 =	rddreg [dreg:$0x0];
	s4 =	simm.s32 $0x1;
	s2 =	sshll.u32 s1, $0x7  }
0x6: {  	s7 =	simm.s32 $0x2;
	s12 =	simm.s32 $0x0;
	s1 =	ssub.s32 $0x4000, s2  }
0x7: {  	s8 =	simm.s32 $0x20000;
	s13 =	simm.s32 $0x0;
	s3 =	sand.u32 $0xF80, s1  }
0x8: {  	s9 =	simm.s32 $0x0;
	s5 =	sshrl.u32 s1, $0xC;
	p0 =	sne.s32 s3, $0x0  }
.Ltmp0:
0x9: {  	s1 =	rddreg [dreg:$0x2];
	s4 =	simm.s32 @!p0 $0x0;
	(pc) =	sbr.rel .LBB1_1-.Ltmp0, $4  }
0xa: {  	s11 =	simm.s32 $0x0;
	s3 =	rddreg [dreg:$0x1];
	s5 =	sadd.s32 s4, s5  }
0xb: {  	_ =	strace $0x8000004A;
	s4 =	simm.s32 $0x1;
	s5 =	smul.u32 $0xC8, s5  }
0xc: {  	s6 =	sadd.s32 $0x20800, s6;
	s10 =	smov.u32 s2;
	[sflag:s4] =	ssyncpa.u1 $0x0  }
0xd: {  	p0 =	por $0x0, $0x0;
	[sflag:s7] =	ssyncpa.u1 $0x0;
	s7 =	sor.u32 $0x1, s5  }
.LBB1_4:
0xe: {  	s16 =	sshll.u32 s13, $0x3;
	s17 =	sand.u32 $0x78, s13  }
0xf: {  	s30 =	sand.u32 $0x1F800, s13;
	s12 =	sshll.u32 s12, $0x11;
	s16 =	sand.u32 $0x3C00, s16  }
0x10: {  	[tilespmem:s15+$0x810 ss:$0x81] =	vst.msk $0xffff, v2;
	s31 =	sand.u32 $0x7, s13;
	s16 =	sor.u32 s17, s16;
	s17 =	sadd.s32 s3, s30  }
0x11: {  	[tilespmem:s15+$0x1020 ss:$0x81] =	vst.msk $0xffff, v0;
	s13 =	sshll.u32 s31, $0x12;
	s12 =	sadd.s32 s12, s17;
	s16 =	sshrl.u32 s16, $0x3  }
0x12: {  	[tilespmem:s15+$0x0 ss:$0x81] =	vst.msk $0xffff, v1;
	s13 =	sor.u32 $0x400, s13;
	s12 =	sadd.s32 s16, s12  }
0x13: {  	[hbm4b:s12+s13] =	stream.strided.scatter [tilespmem:s14], [sflag:$0x2], $0x2000, s8, s13, $0x20;
	[tilespmem:$0x8080] =	vst v63  }
.LBB1_5:
0x14: {  	s14 =	sadd.s32 $0x1, s9  }
0x15: {  	s12 =	sadd.s32 $0x1000, s10;
	s16 =	smov.u32 s10;
	p2 =	sgt.s32 s14, $0xC7  }
0x16: {  	s16 =	smov.u32 @p2 s12  }
0x17: {  	s14 =	simm.s32 @p2 $0x0;
	p2 =	sgt.s32 s16, $0x3FFF  }
0x18: {  	s16 =	smov.u32 @p2 s2;
	p2 =	sne.s32 s11, s7  }
.Ltmp1:
0x19: {  	p1 =	slt.u32 s11, $0x2;
	(pc) =	sbr.rel @!p2 .LBB1_6-.Ltmp1, $4  }
0x1a: {  	s15 =	simm.s32 @!p1 $0x2  }
0x1b: {  	s13 =	smov.u32 s10;
	p0 =	por !p0, !p0;
	_ =	swait.ge @!p1 [sflag:s15], $0x2000  }
0x1c: {  	s12 =	smov.u32 s9;
	[sflag:s15] =	ssyncset.done @!p1 $0x0;
	s9 =	smov.u32 s14  }
0x1d: {  	s11 =	sadd.s32 $0x1, s11;
	[sflag:s15] =	ssyncadd.s32 @!p1 $0xFFFFE000;
	s10 =	smov.u32 s16  }
.LBB1_1:
0x1e: {  	p1 =	sge.u32 s11, s5  }
0x1f: {  	s14 =	sand.u32 @!p1 $0x1FFFFFF, s9  }
0x20: {  	s15 =	smulhi.u32 @!p1 $0x147AE15, s14;
	_ =	sdelay $0x1  }
0x21: {  	s15 =	smul.u32 @!p1 $0xC8, s15  }
0x22: {  	s16 =	sxor.u32 @!p1 $0xFFFFFFFF, s11;
	s17 =	smul.u32 @!p1 $0xC80, s10  }
0x23: {  	s31 =	sadd.s32 $0xFFFFFFFF, s11;
	s16 =	sshll.u32 @!p1 s16, $0xD;
	s14 =	ssub.s32 @!p1 s14, s15  }
0x24: {  	s15 =	sand.u32 @!p1 $0x2000, s16;
	s16 =	sadd.s32 @!p1 s6, s17;
	s14 =	sshll.u32 @!p1 s14, $0x4  }
0x25: {  	s17 =	simm.s32 @!p1 $0x6400;
	s14 =	sadd.s32 @!p1 s14, s16;
	s16 =	simm.s32 @!p1 $0x40  }
0x26: {  	[tilespmem:s15], [sflag:$0x1] =	stream.strided.gather @!p1 [hbm4b:s14+s16], $0x2000, s17, s16, $0x38;
	[tilespmem:$0x8080] =	vst v63  }
0x27: {  	p1 =	sge.u32 s31, s5  }
.Ltmp2:
0x28: {  	_ = 	snop;
	(pc) =	sbr.rel @p1 .LBB1_5-.Ltmp2, $1  }
0x29: {  	_ =	sdelay $0x3  }
0x2a: {  	s14 =	simm.s32 $0x1  }
0x2b: {  	_ =	swait.ge [sflag:s4], $0x2000;
	s14 =	simm.s32 @!p0 $0x0  }
0x2c: {  	[sflag:s4] =	ssyncset.done $0x0;
	s15 =	sshll.u32 s14, $0xD  }
0x2d: {  	[sflag:s4] =	ssyncadd.s32 $0xFFFFE000;
	s18 =	sor.u32 $0x20, s15  }
0x2e: {  	s14 =	smul.u32 $0x8100, s14;
	v3 =	vld [tilespmem:s18+$0x10]  }
0x2f: {  	s30 =	sand.u32 $0x1, s11;
	v2 =	vld [tilespmem:s18+$0xFFFFFFF0]  }
0x30: {  	s15 =	smul.u32 $0x8100, s30;
	s14 =	sshrl.u32 s14, $0x2;
	v0 =	vld [tilespmem:s18+$0x0]  }
0x31: {  	v1 =	vld [tilespmem:s18+$0xFFFFFFE0];
	s16 =	sor.u32 $0x4000, s14  }
0x32: {  	s31 =	sshrl.u32 s15, $0x2;
	s15 =	sadd.s32 $0x0, s16  }
0x33: {  	s17 =	simm.s32 $0x4;
	s18 =	sadd.s32 $0x40, s18;
	s14 =	sor.u32 $0x4000, s31;
	[tilespmem:s15+$0x1830 ss:$0x81] =	vst.msk $0xffff, v3  }
.LBB1_3:
0x34: {  	v3 =	vld [tilespmem:s18+$0x10];
	p1 =	sne.s32 s17, $0x1FC;
	[tilespmem:s15+$0x810 ss:$0x81] =	vst.msk $0xffff, v2;
	s19 =	smov.u32 s17;
	s17 =	sadd.s32 $0x4, s17  }
.Ltmp3:
0x35: {  	v2 =	vld [tilespmem:s18+$0xFFFFFFF0];
	[tilespmem:s15+$0x1020 ss:$0x81] =	vst.msk $0xffff, v0;
	(pc) =	sbr.rel @p1 .LBB1_3-.Ltmp3, $4  }
0x36: {  	v0 =	vld [tilespmem:s18+$0x0];
	[tilespmem:s15+$0x0 ss:$0x81] =	vst.msk $0xffff, v1  }
0x37: {  	s15 =	sshra.s32 s19, $0x2;
	v1 =	vld [tilespmem:s18+$0xFFFFFFE0]  }
0x38: {  	s15 =	sadd.s32 s15, s16  }
0x39: {  	s18 =	sadd.s32 $0x40, s18;
	[tilespmem:s15+$0x1830 ss:$0x81] =	vst.msk $0xffff, v3  }
.Ltmp4:
0x3a: {  	_ = 	snop;
	(pc) =	sbr.rel .LBB1_4-.Ltmp4, $1  }
0x3b: {  	_ =	sdelay $0x3  }
.LBB1_6:
0x3c: {  	_ =	sfence.sel $0x180000  }
0x3d: {  	s2 =	simm.s32 $0x1;
	[bflag:$0x0] =	sbarrier.arrive $0xFFFF  }
0x3e: {  	s31 =	simm.s32 $0x2;
	[sflag:s2] =	ssyncpa.u1 $0x1  }
0x3f: {  	[sflag:s31] =	ssyncpa.u1 $0x1  }
0x40: {  	p0 =	sne.s32 s0, $0x0;
	_ =	strace $0x9000004A  }
0x41: {  	s0 =	sadd.s32 @!p0 $0x100000, s1;
	[bflag:$0x2] =	sbarrier.arrive $0xFFFF  }
0x42: {  	[sflag:s0] =	ssyncadd.tile.s32 @!p0 $0x1;
	_ =	shalt  }
.Lfunc_end1:
_tile_overlayer_lowered:
.L_overlay_start_2:
0x43: {  	(tag) =	ssettag $0x2  }
0x44: {  	s0 =	rddreg [dreg:$0x0];
	s2 =	stileid.u32  }
0x45: {  	s1 =	rddreg [dreg:$0x1];
	p0 =	sne.s32 s2, $0x0  }
0x46: {  	s3 =	rddreg [dreg:$0x2];
	[bflag:$0x3] =	sbarrier.arrive $0xFFFF;
	s2 =	simm.s32 @!p0 $0x1C01  }
0x47: {  	[timem:s3], [sflag:s2] =	dma.local @!p0 [hbm:s0], s1  }
0x48: {  	s0 =	simm.s32 @!p0 $0x1  }
0x49: {  	_ =	swait.ge @!p0 [sflag:s0], s1  }
0x4a: {  	s1 =	ssub.s32 @!p0 $0x0, s1;
	[sflag:s0] =	ssyncset.done @!p0 $0x0  }
0x4b: {  	[sflag:s0] =	ssyncadd.s32 @!p0 s1  }
0x4c: {  	[bflag:$0x3] =	sbarrier.arrive $0xFFFF  }
0x4d: {  	_ =	shalt  }

</sc_bundles>
